<compile_context>
chip_gen: v7x
topology: tpu7x:2x2x1
jax: 0.10.2.dev20260603
libtpu: 0.0.44.dev20260713+nightly
codegen_flags: <defaults>
</compile_context>

<pallas_src>
import functools

import jax
import jax.numpy as jnp
from jax import lax
from jax.experimental import pallas as pl
from jax.experimental.pallas import tpu as pltpu
from jax.experimental.pallas import tpu_sc as plsc

T, B, C, K = 512, 16, 4, 64
CK = C * K
NW = 32
TPW = T // NW
LG = 4

_F32 = jnp.float32
_I32 = jnp.int32


def _dot(a, b):
    return jnp.dot(a, b, preferred_element_type=_F32)


def _dotbf(a, b):
    return jnp.dot(a.astype(jnp.bfloat16), b.astype(jnp.bfloat16),
                   preferred_element_type=_F32)



def _num_body(em_hbm, tags_hbm, lens_hbm, trans_hbm, start_hbm, end_hbm,
              out_hbm, em_v, tg_v, trans_v, start_v, end_v, lens_v, acc_v):
    cid = lax.axis_index("c")
    sid = lax.axis_index("s")
    w = sid * 2 + cid
    t0 = w * TPW
    pltpu.sync_copy(em_hbm.at[pl.ds(w * (TPW * B * C * K), TPW * B * C * K)],
                    em_v)
    prev_off = pl.multiple_of(jnp.maximum(w * (B * C) * TPW - B * C, 0), B * C)
    pltpu.sync_copy(tags_hbm.at[pl.ds(prev_off, B * C)], tg_v.at[pl.ds(0, B * C)])
    pltpu.sync_copy(tags_hbm.at[pl.ds(w * (B * C) * TPW, B * C * TPW)],
                    tg_v.at[pl.ds(B * C, B * C * TPW)])
    pltpu.sync_copy(trans_hbm, trans_v)
    pltpu.sync_copy(start_hbm, start_v)
    pltpu.sync_copy(end_hbm, end_v)
    pltpu.sync_copy(lens_hbm, lens_v)

    lane = lax.broadcasted_iota(_I32, (16,), 0)
    consts = []
    for g in range(LG):
        p = lane + g * 16
        c = p & 3
        lens_g = lens_v[pl.ds(g * 16, 16)]
        consts.append((p * K, c * (K * K), c * K, lens_g))

    def step(t_l, accs):
        t_g = t0 + t_l
        out = []
        for g in range(LG):
            p64, c4096, c64, lens_g = consts[g]
            base = t_l * (B * C) + g * 16
            tgc = tg_v[pl.ds(base + B * C, 16)]
            tgp = tg_v[pl.ds(base, 16)]
            e = plsc.load_gather(em_v, [t_l * (B * C * K) + p64 + tgc])
            tr = plsc.load_gather(trans_v, [c4096 + tgp * K + tgc])
            en = plsc.load_gather(end_v, [c64 + tgc])
            st = plsc.load_gather(start_v, [c64 + tgc])
            maskf = jnp.where(t_g < lens_g, 1.0, 0.0).astype(_F32)
            endf = jnp.where(t_g == lens_g - 1, 1.0, 0.0).astype(_F32)
            live = jnp.where(t_g == 0, e + st, (e + tr) * maskf)
            out.append(accs[g] + live + en * endf)
        return tuple(out)

    zero = jnp.zeros((16,), _F32)
    accs = lax.fori_loop(0, TPW, step, (zero,) * LG)
    for g in range(LG):
        acc_v[pl.ds(g * 16, 16)] = accs[g]
    pltpu.sync_copy(acc_v, out_hbm.at[w])


def _sc_numerator(em_flat, tags_flat, lens, trans_flat, start_flat, end_flat):
    mesh = plsc.VectorSubcoreMesh(core_axis_name="c", subcore_axis_name="s")
    kern = functools.partial(
        pl.kernel,
        mesh=mesh,
        compiler_params=pltpu.CompilerParams(needs_layout_passes=False),
        out_type=jax.ShapeDtypeStruct((NW, B * C), _F32),
        scratch_types=[
            pltpu.VMEM((TPW * B * C * K,), _F32),
            pltpu.VMEM((B * C * (TPW + 1),), _I32),
            pltpu.VMEM((C * K * K,), _F32),
            pltpu.VMEM((C * K,), _F32),
            pltpu.VMEM((C * K,), _F32),
            pltpu.VMEM((B * C,), _I32),
            pltpu.VMEM((B * C,), _F32),
        ],
    )(_num_body)
    return kern(em_flat, tags_flat, lens, trans_flat, start_flat, end_flat)



def _den_body(em_ref, lens_ref, tlog_ref, start_ref, end_ref, out_ref):
    lane_c = lax.broadcasted_iota(_I32, (C, CK), 1) // K
    row_c = lax.broadcasted_iota(_I32, (C, CK), 0)
    BI = (lane_c == row_c).astype(_F32)
    BIT = BI.T

    E = jnp.exp(tlog_ref[...]).astype(jnp.bfloat16)
    expend = jnp.exp(end_ref[...])
    lens = lens_ref[...]

    P = jnp.exp(start_ref[...] + em_ref[0])
    norm = _dotbf(P, BIT)
    P = P * (1.0 / _dotbf(norm, BI))
    s = jnp.log(norm)
    Psnap = P
    S = s

    def light_step(t, P, s, Psnap, S):
        Pn = _dotbf(P, E) * jnp.exp(em_ref[t])
        hit = t == lens - 1
        Psnap = jnp.where(hit, Pn, Psnap)
        S = jnp.where(hit, s, S)
        return Pn, Psnap, S

    def block(i, carry):
        P, s, Psnap, S = carry
        norm = _dotbf(P, BIT)
        invb = 1.0 / _dotbf(norm, BI)
        t0 = 1 + i * 8
        for j in range(8):
            P, Psnap, S = light_step(t0 + j, P, s, Psnap, S)
        P = P * invb
        s = s + jnp.log(norm)
        return P, s, Psnap, S

    P, s, Psnap, S = lax.fori_loop(0, (T - 8) // 8, block, (P, s, Psnap, S),
                                   unroll=3)
    for t in range(1 + 8 * ((T - 8) // 8), T):
        P, Psnap, S = light_step(t, P, s, Psnap, S)
    out_ref[...] = S + jnp.log(_dot(Psnap * expend, BIT))


def _tc_denominator(em_t, lens2, tlogt, start_col, end_col):
    return pl.pallas_call(
        _den_body,
        out_shape=jax.ShapeDtypeStruct((B, C), _F32),
        in_specs=[pl.BlockSpec((T, B, CK), lambda: (0, 0, 0)),
                  pl.BlockSpec((B, 1), lambda: (0, 0)),
                  pl.BlockSpec((CK, CK), lambda: (0, 0)),
                  pl.BlockSpec((1, CK), lambda: (0, 0)),
                  pl.BlockSpec((1, CK), lambda: (0, 0))],
        out_specs=pl.BlockSpec((B, C), lambda: (0, 0)),
    )(em_t, lens2, tlogt, start_col, end_col)



@jax.jit
def kernel(emissions, tags, token_sizes, transitions, start_transitions,
           end_transitions):
    em = emissions.reshape(T, B, CK)
    tg32 = tags.astype(_I32)
    lens = token_sizes.astype(_I32)
    tlog = jnp.full((CK, CK), -1e30, dtype=_F32)
    for c in range(C):
        sl = slice(c * K, (c + 1) * K)
        tlog = tlog.at[sl, sl].set(transitions[c])
    start_row = start_transitions.reshape(1, CK)
    end_row = end_transitions.reshape(1, CK)

    lens_x = jnp.repeat(lens, C)
    partials = _sc_numerator(emissions.reshape(-1), tg32.reshape(-1), lens_x,
                             transitions.reshape(-1).astype(_F32),
                             start_transitions.reshape(-1),
                             end_transitions.reshape(-1))
    den = _tc_denominator(em, lens.reshape(B, 1), tlog, start_row, end_row)
    num = partials.sum(axis=0).reshape(B, C)
    return num - den

# --- scband reference (transcript-rebuilt; emitter-appended) ---
"""Pipeline reference for scband-crf-decoder-16252156248443 (READ-ONLY COPY).

The authoritative reference and input builder live on the scoring server;
editing this copy changes nothing except your own understanding.
"""

import jax, jax.numpy as jnp
import numpy as np

T, B, C, K = 512, 16, 4, 64


def setup_inputs(seed: int = 0) -> dict:
    key = jax.random.key(seed)
    ks = jax.random.split(key, 6)
    emissions = jax.random.normal(ks[0], (T, B, C, K), dtype=jnp.float32)
    tags = jax.random.randint(ks[1], (T, B, C), 0, K, dtype=jnp.int64 if jax.config.jax_enable_x64 else jnp.int32)
    token_sizes = jax.random.randint(ks[2], (B,), 1, T + 1, dtype=jnp.int32)
    transitions = 0.1 * jax.random.normal(ks[3], (C, K, K), dtype=jnp.float32)
    start_transitions = 0.1 * jax.random.normal(ks[4], (C, K), dtype=jnp.float32)
    end_transitions = 0.1 * jax.random.normal(ks[5], (C, K), dtype=jnp.float32)
    return {
        'emissions': emissions,
        'tags': tags,
        'token_sizes': token_sizes,
        'transitions': transitions,
        'start_transitions': start_transitions,
        'end_transitions': end_transitions,
    }


def _crf_llh(em, tg, maskf, trans, start, end):
    # em: [T,B,K], tg: [T,B], maskf: [T,B] float (mask[0] is all ones since lengths>=1)
    Tn, Bn, Kn = em.shape
    b_idx = jnp.arange(Bn)
    # ---- numerator: score of given tag sequence ----
    score0 = start[tg[0]] + em[0, b_idx, tg[0]]
    def num_step(carry, inp):
        score, prev_tag = carry
        e_i, t_i, m_i = inp
        step = trans[prev_tag, t_i] + e_i[b_idx, t_i]
        score = score + step * m_i
        prev_tag = jnp.where(m_i > 0, t_i, prev_tag)
        return (score, prev_tag), None
    (num, last_tag), _ = jax.lax.scan(num_step, (score0, tg[0]), (em[1:], tg[1:], maskf[1:]))
    num = num + end[last_tag]
    # ---- denominator: log partition via forward algorithm ----
    alpha0 = start[None, :] + em[0]
    def den_step(alpha, inp):
        e_i, m_i = inp
        broadcast = alpha[:, :, None] + trans[None, :, :] + e_i[:, None, :]
        nxt = jax.nn.logsumexp(broadcast, axis=1)
        alpha = jnp.where((m_i > 0)[:, None], nxt, alpha)
        return alpha, None
    alpha, _ = jax.lax.scan(den_step, alpha0, (em[1:], maskf[1:]))
    den = jax.nn.logsumexp(alpha + end[None, :], axis=1)
    return num - den


def reference(emissions, tags, token_sizes, transitions, start_transitions, end_transitions):
    Tn, Bn, Cn, Kn = emissions.shape
    mask = jnp.arange(Tn)[:, None] < token_sizes[None, :]
    maskf = mask.astype(emissions.dtype)
    outs = []
    for c in range(Cn):
        outs.append(_crf_llh(emissions[:, :, c, :], tags[:, :, c], maskf,
                             transitions[c], start_transitions[c], end_transitions[c]))
    # fit() returns stacked per-batch log-likelihoods, shape [B, C]
    return jnp.stack(outs, axis=-1)

if __name__ == "__main__":
    import jax
    _d = setup_inputs()
    print(jax.jit(kernel)(*tuple(_d.values())))

</pallas_src>

<mosaic_0001>
#map = affine_map<(d0, d1) -> (0)>
#map1 = affine_map<(d0, d1) -> (0, 0)>
module attributes {stable_mosaic.version = 14 : i64} {
  func.func @_num_body(%arg0: i32, %arg1: i32, %arg2: memref<2097152xf32, #tpu.memory_space<hbm>>, %arg3: memref<32768xi32, #tpu.memory_space<hbm>>, %arg4: memref<64xi32, #tpu.memory_space<hbm>>, %arg5: memref<16384xf32, #tpu.memory_space<hbm>>, %arg6: memref<256xf32, #tpu.memory_space<hbm>>, %arg7: memref<256xf32, #tpu.memory_space<hbm>>, %arg8: memref<32x64xf32, #tpu.memory_space<hbm>>, %arg9: memref<65536xf32, #tpu.memory_space<vmem>>, %arg10: memref<1088xi32, #tpu.memory_space<vmem>>, %arg11: memref<16384xf32, #tpu.memory_space<vmem>>, %arg12: memref<256xf32, #tpu.memory_space<vmem>>, %arg13: memref<256xf32, #tpu.memory_space<vmem>>, %arg14: memref<64xi32, #tpu.memory_space<vmem>>, %arg15: memref<64xf32, #tpu.memory_space<vmem>>) attributes {dimension_semantics = [#tpu.dimension_semantics<core_parallel>, #tpu.dimension_semantics<subcore_parallel>], iteration_bounds = array<i64: 2, 16>, scalar_prefetch = 0 : i64, scratch_operands = 7 : i64, tpu.core_type = #tpu.core_type<sc_vector_subcore>, window_params = [{transform_indices = #map}, {transform_indices = #map}, {transform_indices = #map}, {transform_indices = #map}, {transform_indices = #map}, {transform_indices = #map}, {transform_indices = #map1}]} {
    %mul3A = arith.constant 2 : i32
    %mul3A_0 = arith.muli %arg1, %mul3A : i32
    %add3A = arith.addi %mul3A_0, %arg0 : i32
    %mul3A_1 = arith.constant 16 : i32
    %mul3A_2 = arith.muli %add3A, %mul3A_1 : i32
    %mul3A_3 = arith.constant 65536 : i32
    %mul3A_4 = arith.muli %add3A, %mul3A_3 : i32
    "tpu.region"() ({
      %run_scoped3A = tpu.sem_alloc : memref<!tpu.dma_semaphore, #tpu.memory_space<semaphore_mem>>
      %dma_start3A = tpu.memref_slice %arg2[%mul3A_4] : memref<2097152xf32, #tpu.memory_space<hbm>> -> memref<65536xf32, #tpu.memory_space<hbm>>
      %dma_start3A_94 = tpu.memref_slice %arg2[%mul3A_4] : memref<2097152xf32, #tpu.memory_space<hbm>> -> memref<65536xf32, #tpu.memory_space<hbm>>
      tpu.enqueue_dma source(%dma_start3A_94 : memref<65536xf32, #tpu.memory_space<hbm>>) target(%arg9 : memref<65536xf32, #tpu.memory_space<vmem>>) target_semaphore(%run_scoped3A : memref<!tpu.dma_semaphore, #tpu.memory_space<semaphore_mem>>)
      %dma_wait3A = tpu.memref_slice %arg2[%mul3A_4] : memref<2097152xf32, #tpu.memory_space<hbm>> -> memref<65536xf32, #tpu.memory_space<hbm>>
      %dma_wait3A_95 = tpu.memref_slice %arg2[%mul3A_4] : memref<2097152xf32, #tpu.memory_space<hbm>> -> memref<65536xf32, #tpu.memory_space<hbm>>
      tpu.wait_dma2 semaphore(%run_scoped3A : memref<!tpu.dma_semaphore, #tpu.memory_space<semaphore_mem>>) src(%dma_wait3A_95 : memref<65536xf32, #tpu.memory_space<hbm>>) dst(%arg9 : memref<65536xf32, #tpu.memory_space<vmem>>)
      tpu.yield
    }) : () -> ()
    %mul3A_5 = arith.constant 64 : i32
    %mul3A_6 = arith.muli %add3A, %mul3A_5 : i32
    %mul3A_7 = arith.constant 16 : i32
    %mul3A_8 = arith.muli %mul3A_6, %mul3A_7 : i32
    %sub3A = arith.constant 64 : i32
    %sub3A_9 = arith.subi %mul3A_8, %sub3A : i32
    %max3A = arith.constant 0 : i32
    %max3A_10 = arith.maxsi %sub3A_9, %max3A : i32
    %multiple_of3A = tpu.assume_multiple %max3A_10, 64 : i32
    "tpu.region"() ({
      %run_scoped3A = tpu.sem_alloc : memref<!tpu.dma_semaphore, #tpu.memory_space<semaphore_mem>>
      %dma_start3A = arith.constant 0 : i32
      %dma_start3A_94 = tpu.memref_slice %arg10[%dma_start3A] : memref<1088xi32, #tpu.memory_space<vmem>> -> memref<64xi32, #tpu.memory_space<vmem>>
      %dma_start3A_95 = tpu.memref_slice %arg3[%multiple_of3A] : memref<32768xi32, #tpu.memory_space<hbm>> -> memref<64xi32, #tpu.memory_space<hbm>>
      %dma_start3A_96 = arith.constant 0 : i32
      %dma_start3A_97 = tpu.memref_slice %arg10[%dma_start3A_96] : memref<1088xi32, #tpu.memory_space<vmem>> -> memref<64xi32, #tpu.memory_space<vmem>>
      %dma_start3A_98 = tpu.memref_slice %arg3[%multiple_of3A] : memref<32768xi32, #tpu.memory_space<hbm>> -> memref<64xi32, #tpu.memory_space<hbm>>
      tpu.enqueue_dma source(%dma_start3A_98 : memref<64xi32, #tpu.memory_space<hbm>>) target(%dma_start3A_97 : memref<64xi32, #tpu.memory_space<vmem>>) target_semaphore(%run_scoped3A : memref<!tpu.dma_semaphore, #tpu.memory_space<semaphore_mem>>)
      %dma_wait3A = arith.constant 0 : i32
      %dma_wait3A_99 = tpu.memref_slice %arg10[%dma_wait3A] : memref<1088xi32, #tpu.memory_space<vmem>> -> memref<64xi32, #tpu.memory_space<vmem>>
      %dma_wait3A_100 = tpu.memref_slice %arg3[%multiple_of3A] : memref<32768xi32, #tpu.memory_space<hbm>> -> memref<64xi32, #tpu.memory_space<hbm>>
      %dma_wait3A_101 = arith.constant 0 : i32
      %dma_wait3A_102 = tpu.memref_slice %arg10[%dma_wait3A_101] : memref<1088xi32, #tpu.memory_space<vmem>> -> memref<64xi32, #tpu.memory_space<vmem>>
      %dma_wait3A_103 = tpu.memref_slice %arg3[%multiple_of3A] : memref<32768xi32, #tpu.memory_space<hbm>> -> memref<64xi32, #tpu.memory_space<hbm>>
      tpu.wait_dma2 semaphore(%run_scoped3A : memref<!tpu.dma_semaphore, #tpu.memory_space<semaphore_mem>>) src(%dma_wait3A_103 : memref<64xi32, #tpu.memory_space<hbm>>) dst(%dma_wait3A_102 : memref<64xi32, #tpu.memory_space<vmem>>)
      tpu.yield
    }) : () -> ()
    %mul3A_11 = arith.constant 64 : i32
    %mul3A_12 = arith.muli %add3A, %mul3A_11 : i32
    %mul3A_13 = arith.constant 16 : i32
    %mul3A_14 = arith.muli %mul3A_12, %mul3A_13 : i32
    "tpu.region"() ({
      %run_scoped3A = tpu.sem_alloc : memref<!tpu.dma_semaphore, #tpu.memory_space<semaphore_mem>>
      %dma_start3A = arith.constant 64 : i32
      %dma_start3A_94 = tpu.memref_slice %arg10[%dma_start3A] : memref<1088xi32, #tpu.memory_space<vmem>> -> memref<1024xi32, #tpu.memory_space<vmem>>
      %dma_start3A_95 = tpu.memref_slice %arg3[%mul3A_14] : memref<32768xi32, #tpu.memory_space<hbm>> -> memref<1024xi32, #tpu.memory_space<hbm>>
      %dma_start3A_96 = arith.constant 64 : i32
      %dma_start3A_97 = tpu.memref_slice %arg10[%dma_start3A_96] : memref<1088xi32, #tpu.memory_space<vmem>> -> memref<1024xi32, #tpu.memory_space<vmem>>
      %dma_start3A_98 = tpu.memref_slice %arg3[%mul3A_14] : memref<32768xi32, #tpu.memory_space<hbm>> -> memref<1024xi32, #tpu.memory_space<hbm>>
      tpu.enqueue_dma source(%dma_start3A_98 : memref<1024xi32, #tpu.memory_space<hbm>>) target(%dma_start3A_97 : memref<1024xi32, #tpu.memory_space<vmem>>) target_semaphore(%run_scoped3A : memref<!tpu.dma_semaphore, #tpu.memory_space<semaphore_mem>>)
      %dma_wait3A = arith.constant 64 : i32
      %dma_wait3A_99 = tpu.memref_slice %arg10[%dma_wait3A] : memref<1088xi32, #tpu.memory_space<vmem>> -> memref<1024xi32, #tpu.memory_space<vmem>>
      %dma_wait3A_100 = tpu.memref_slice %arg3[%mul3A_14] : memref<32768xi32, #tpu.memory_space<hbm>> -> memref<1024xi32, #tpu.memory_space<hbm>>
      %dma_wait3A_101 = arith.constant 64 : i32
      %dma_wait3A_102 = tpu.memref_slice %arg10[%dma_wait3A_101] : memref<1088xi32, #tpu.memory_space<vmem>> -> memref<1024xi32, #tpu.memory_space<vmem>>
      %dma_wait3A_103 = tpu.memref_slice %arg3[%mul3A_14] : memref<32768xi32, #tpu.memory_space<hbm>> -> memref<1024xi32, #tpu.memory_space<hbm>>
      tpu.wait_dma2 semaphore(%run_scoped3A : memref<!tpu.dma_semaphore, #tpu.memory_space<semaphore_mem>>) src(%dma_wait3A_103 : memref<1024xi32, #tpu.memory_space<hbm>>) dst(%dma_wait3A_102 : memref<1024xi32, #tpu.memory_space<vmem>>)
      tpu.yield
    }) : () -> ()
    "tpu.region"() ({
      %run_scoped3A = tpu.sem_alloc : memref<!tpu.dma_semaphore, #tpu.memory_space<semaphore_mem>>
      tpu.enqueue_dma source(%arg5 : memref<16384xf32, #tpu.memory_space<hbm>>) target(%arg11 : memref<16384xf32, #tpu.memory_space<vmem>>) target_semaphore(%run_scoped3A : memref<!tpu.dma_semaphore, #tpu.memory_space<semaphore_mem>>)
      tpu.wait_dma2 semaphore(%run_scoped3A : memref<!tpu.dma_semaphore, #tpu.memory_space<semaphore_mem>>) src(%arg5 : memref<16384xf32, #tpu.memory_space<hbm>>) dst(%arg11 : memref<16384xf32, #tpu.memory_space<vmem>>)
      tpu.yield
    }) : () -> ()
    "tpu.region"() ({
      %run_scoped3A = tpu.sem_alloc : memref<!tpu.dma_semaphore, #tpu.memory_space<semaphore_mem>>
      tpu.enqueue_dma source(%arg6 : memref<256xf32, #tpu.memory_space<hbm>>) target(%arg12 : memref<256xf32, #tpu.memory_space<vmem>>) target_semaphore(%run_scoped3A : memref<!tpu.dma_semaphore, #tpu.memory_space<semaphore_mem>>)
      tpu.wait_dma2 semaphore(%run_scoped3A : memref<!tpu.dma_semaphore, #tpu.memory_space<semaphore_mem>>) src(%arg6 : memref<256xf32, #tpu.memory_space<hbm>>) dst(%arg12 : memref<256xf32, #tpu.memory_space<vmem>>)
      tpu.yield
    }) : () -> ()
    "tpu.region"() ({
      %run_scoped3A = tpu.sem_alloc : memref<!tpu.dma_semaphore, #tpu.memory_space<semaphore_mem>>
      tpu.enqueue_dma source(%arg7 : memref<256xf32, #tpu.memory_space<hbm>>) target(%arg13 : memref<256xf32, #tpu.memory_space<vmem>>) target_semaphore(%run_scoped3A : memref<!tpu.dma_semaphore, #tpu.memory_space<semaphore_mem>>)
      tpu.wait_dma2 semaphore(%run_scoped3A : memref<!tpu.dma_semaphore, #tpu.memory_space<semaphore_mem>>) src(%arg7 : memref<256xf32, #tpu.memory_space<hbm>>) dst(%arg13 : memref<256xf32, #tpu.memory_space<vmem>>)
      tpu.yield
    }) : () -> ()
    "tpu.region"() ({
      %run_scoped3A = tpu.sem_alloc : memref<!tpu.dma_semaphore, #tpu.memory_space<semaphore_mem>>
      tpu.enqueue_dma source(%arg4 : memref<64xi32, #tpu.memory_space<hbm>>) target(%arg14 : memref<64xi32, #tpu.memory_space<vmem>>) target_semaphore(%run_scoped3A : memref<!tpu.dma_semaphore, #tpu.memory_space<semaphore_mem>>)
      tpu.wait_dma2 semaphore(%run_scoped3A : memref<!tpu.dma_semaphore, #tpu.memory_space<semaphore_mem>>) src(%arg4 : memref<64xi32, #tpu.memory_space<hbm>>) dst(%arg14 : memref<64xi32, #tpu.memory_space<vmem>>)
      tpu.yield
    }) : () -> ()
    %iota3A = tpu.iota {dimensions = array<i32: 0>} : vector<16xi32>
    %add3A_15 = arith.constant 0 : i32
    %add3A_16 = vector.broadcast %add3A_15 : i32 to vector<16xi32>
    %add3A_17 = arith.addi %iota3A, %add3A_16 : vector<16xi32>
    %and3A = arith.constant 3 : i32
    %and3A_18 = vector.broadcast %and3A : i32 to vector<16xi32>
    %and3A_19 = arith.andi %add3A_17, %and3A_18 : vector<16xi32>
    %get3A = arith.constant 0 : index
    %get3A_20 = tpu.vector_load %arg14[%get3A] {strides = array<i32>} : memref<64xi32, #tpu.memory_space<vmem>>, vector<16xi32>,
    %mul3A_21 = arith.constant 64 : i32
    %mul3A_22 = vector.broadcast %mul3A_21 : i32 to vector<16xi32>
    %mul3A_23 = arith.muli %add3A_17, %mul3A_22 : vector<16xi32>
    %mul3A_24 = arith.constant 4096 : i32
    %mul3A_25 = vector.broadcast %mul3A_24 : i32 to vector<16xi32>
    %mul3A_26 = arith.muli %and3A_19, %mul3A_25 : vector<16xi32>
    %mul3A_27 = arith.constant 64 : i32
    %mul3A_28 = vector.broadcast %mul3A_27 : i32 to vector<16xi32>
    %mul3A_29 = arith.muli %and3A_19, %mul3A_28 : vector<16xi32>
    %add3A_30 = arith.constant 16 : i32
    %add3A_31 = vector.broadcast %add3A_30 : i32 to vector<16xi32>
    %add3A_32 = arith.addi %iota3A, %add3A_31 : vector<16xi32>
    %and3A_33 = arith.constant 3 : i32
    %and3A_34 = vector.broadcast %and3A_33 : i32 to vector<16xi32>
    %and3A_35 = arith.andi %add3A_32, %and3A_34 : vector<16xi32>
    %get3A_36 = arith.constant 16 : index
    %get3A_37 = tpu.vector_load %arg14[%get3A_36] {strides = array<i32>} : memref<64xi32, #tpu.memory_space<vmem>>, vector<16xi32>,
    %mul3A_38 = arith.constant 64 : i32
    %mul3A_39 = vector.broadcast %mul3A_38 : i32 to vector<16xi32>
    %mul3A_40 = arith.muli %add3A_32, %mul3A_39 : vector<16xi32>
    %mul3A_41 = arith.constant 4096 : i32
    %mul3A_42 = vector.broadcast %mul3A_41 : i32 to vector<16xi32>
    %mul3A_43 = arith.muli %and3A_35, %mul3A_42 : vector<16xi32>
    %mul3A_44 = arith.constant 64 : i32
    %mul3A_45 = vector.broadcast %mul3A_44 : i32 to vector<16xi32>
    %mul3A_46 = arith.muli %and3A_35, %mul3A_45 : vector<16xi32>
    %add3A_47 = arith.constant 32 : i32
    %add3A_48 = vector.broadcast %add3A_47 : i32 to vector<16xi32>
    %add3A_49 = arith.addi %iota3A, %add3A_48 : vector<16xi32>
    %and3A_50 = arith.constant 3 : i32
    %and3A_51 = vector.broadcast %and3A_50 : i32 to vector<16xi32>
    %and3A_52 = arith.andi %add3A_49, %and3A_51 : vector<16xi32>
    %get3A_53 = arith.constant 32 : index
    %get3A_54 = tpu.vector_load %arg14[%get3A_53] {strides = array<i32>} : memref<64xi32, #tpu.memory_space<vmem>>, vector<16xi32>,
    %mul3A_55 = arith.constant 64 : i32
    %mul3A_56 = vector.broadcast %mul3A_55 : i32 to vector<16xi32>
    %mul3A_57 = arith.muli %add3A_49, %mul3A_56 : vector<16xi32>
    %mul3A_58 = arith.constant 4096 : i32
    %mul3A_59 = vector.broadcast %mul3A_58 : i32 to vector<16xi32>
    %mul3A_60 = arith.muli %and3A_52, %mul3A_59 : vector<16xi32>
    %mul3A_61 = arith.constant 64 : i32
    %mul3A_62 = vector.broadcast %mul3A_61 : i32 to vector<16xi32>
    %mul3A_63 = arith.muli %and3A_52, %mul3A_62 : vector<16xi32>
    %add3A_64 = arith.constant 48 : i32
    %add3A_65 = vector.broadcast %add3A_64 : i32 to vector<16xi32>
    %add3A_66 = arith.addi %iota3A, %add3A_65 : vector<16xi32>
    %and3A_67 = arith.constant 3 : i32
    %and3A_68 = vector.broadcast %and3A_67 : i32 to vector<16xi32>
    %and3A_69 = arith.andi %add3A_66, %and3A_68 : vector<16xi32>
    %get3A_70 = arith.constant 48 : index
    %get3A_71 = tpu.vector_load %arg14[%get3A_70] {strides = array<i32>} : memref<64xi32, #tpu.memory_space<vmem>>, vector<16xi32>,
    %mul3A_72 = arith.constant 64 : i32
    %mul3A_73 = vector.broadcast %mul3A_72 : i32 to vector<16xi32>
    %mul3A_74 = arith.muli %add3A_66, %mul3A_73 : vector<16xi32>
    %mul3A_75 = arith.constant 4096 : i32
    %mul3A_76 = vector.broadcast %mul3A_75 : i32 to vector<16xi32>
    %mul3A_77 = arith.muli %and3A_69, %mul3A_76 : vector<16xi32>
    %mul3A_78 = arith.constant 64 : i32
    %mul3A_79 = vector.broadcast %mul3A_78 : i32 to vector<16xi32>
    %mul3A_80 = arith.muli %and3A_69, %mul3A_79 : vector<16xi32>
    %broadcast_in_dim3A = arith.constant 0.000000e+00 : f32
    %broadcast_in_dim3A_81 = vector.broadcast %broadcast_in_dim3A : f32 to vector<16xf32>
    %scan3A = arith.constant 0 : i32
    %scan3A_82 = arith.constant 16 : i32
    %scan3A_83 = arith.addi %scan3A, %scan3A_82 : i32
    %scan3A_84 = arith.constant 1 : i32
    %scan3A_85:4 = scf.for %scan3A_94 = %scan3A to %scan3A_83 step %scan3A_84 iter_args(%scan3A_95 = %broadcast_in_dim3A_81, %scan3A_96 = %broadcast_in_dim3A_81, %scan3A_97 = %broadcast_in_dim3A_81, %scan3A_98 = %broadcast_in_dim3A_81) -> (vector<16xf32>, vector<16xf32>, vector<16xf32>, vector<16xf32>)  : i32 {
      %add3A_99 = arith.addi %mul3A_2, %scan3A_94 : i32
      %mul3A_100 = arith.constant 64 : i32
      %mul3A_101 = arith.muli %scan3A_94, %mul3A_100 : i32
      %add3A_102 = arith.constant 0 : i32
      %add3A_103 = arith.addi %mul3A_101, %add3A_102 : i32
      %add3A_104 = arith.constant 64 : i32
      %add3A_105 = arith.addi %add3A_103, %add3A_104 : i32
      %get3A_106 = arith.index_cast %add3A_105 : i32 to index
      %get3A_107 = tpu.vector_load %arg10[%get3A_106] {strides = array<i32>} : memref<1088xi32, #tpu.memory_space<vmem>>, vector<16xi32>,
      %get3A_108 = arith.index_cast %add3A_103 : i32 to index
      %get3A_109 = tpu.vector_load %arg10[%get3A_108] {strides = array<i32>} : memref<1088xi32, #tpu.memory_space<vmem>>, vector<16xi32>,
      %mul3A_110 = arith.constant 4096 : i32
      %mul3A_111 = arith.muli %scan3A_94, %mul3A_110 : i32
      %add3A_112 = vector.broadcast %mul3A_111 : i32 to vector<16xi32>
      %add3A_113 = arith.addi %add3A_112, %mul3A_23 : vector<16xi32>
      %add3A_114 = arith.addi %add3A_113, %get3A_107 : vector<16xi32>
      %gather3A = tpu.vector_load_idx %arg9[%add3A_114] : memref<65536xf32, #tpu.memory_space<vmem>>[vector<16xi32>], vector<16xf32>,
      %mul3A_115 = arith.constant 64 : i32
      %mul3A_116 = vector.broadcast %mul3A_115 : i32 to vector<16xi32>
      %mul3A_117 = arith.muli %get3A_109, %mul3A_116 : vector<16xi32>
      %add3A_118 = arith.addi %mul3A_26, %mul3A_117 : vector<16xi32>
      %add3A_119 = arith.addi %add3A_118, %get3A_107 : vector<16xi32>
      %gather3A_120 = tpu.vector_load_idx %arg11[%add3A_119] : memref<16384xf32, #tpu.memory_space<vmem>>[vector<16xi32>], vector<16xf32>,
      %add3A_121 = arith.addi %mul3A_29, %get3A_107 : vector<16xi32>
      %gather3A_122 = tpu.vector_load_idx %arg13[%add3A_121] : memref<256xf32, #tpu.memory_space<vmem>>[vector<16xi32>], vector<16xf32>,
      %add3A_123 = arith.addi %mul3A_29, %get3A_107 : vector<16xi32>
      %gather3A_124 = tpu.vector_load_idx %arg12[%add3A_123] : memref<256xf32, #tpu.memory_space<vmem>>[vector<16xi32>], vector<16xf32>,
      %lt3A = vector.broadcast %add3A_99 : i32 to vector<16xi32>
      %lt3A_125 = arith.cmpi slt, %lt3A, %get3A_20 : vector<16xi32>
      %jit3A = arith.constant 1.000000e+00 : f32
      %jit3A_126 = arith.constant 0.000000e+00 : f32
      %broadcast_in_dim3A_127 = vector.broadcast %jit3A : f32 to vector<16xf32>
      %broadcast_in_dim3A_128 = vector.broadcast %jit3A_126 : f32 to vector<16xf32>
      %select_n3A = arith.select %lt3A_125, %broadcast_in_dim3A_127, %broadcast_in_dim3A_128 : vector<16xi1>, vector<16xf32>
      %sub3A_129 = arith.constant 1 : i32
      %sub3A_130 = vector.broadcast %sub3A_129 : i32 to vector<16xi32>
      %sub3A_131 = arith.subi %get3A_20, %sub3A_130 : vector<16xi32>
      %eq3A = vector.broadcast %add3A_99 : i32 to vector<16xi32>
      %eq3A_132 = arith.cmpi eq, %eq3A, %sub3A_131 : vector<16xi32>
      %jit3A_133 = arith.constant 1.000000e+00 : f32
      %jit3A_134 = arith.constant 0.000000e+00 : f32
      %broadcast_in_dim3A_135 = vector.broadcast %jit3A_133 : f32 to vector<16xf32>
      %broadcast_in_dim3A_136 = vector.broadcast %jit3A_134 : f32 to vector<16xf32>
      %select_n3A_137 = arith.select %eq3A_132, %broadcast_in_dim3A_135, %broadcast_in_dim3A_136 : vector<16xi1>, vector<16xf32>
      %eq3A_138 = arith.constant 0 : i32
      %eq3A_139 = arith.cmpi eq, %add3A_99, %eq3A_138 : i32
      %add3A_140 = arith.addf %gather3A, %gather3A_124 : vector<16xf32>
      %add3A_141 = arith.addf %gather3A, %gather3A_120 : vector<16xf32>
      %mul3A_142 = arith.mulf %add3A_141, %select_n3A : vector<16xf32>
      %select_n3A_143 = arith.select %eq3A_139, %add3A_140, %mul3A_142 : vector<16xf32>
      %add3A_144 = arith.addf %scan3A_95, %select_n3A_143 : vector<16xf32>
      %mul3A_145 = arith.mulf %gather3A_122, %select_n3A_137 : vector<16xf32>
      %add3A_146 = arith.addf %add3A_144, %mul3A_145 : vector<16xf32>
      %mul3A_147 = arith.constant 64 : i32
      %mul3A_148 = arith.muli %scan3A_94, %mul3A_147 : i32
      %add3A_149 = arith.constant 16 : i32
      %add3A_150 = arith.addi %mul3A_148, %add3A_149 : i32
      %add3A_151 = arith.constant 64 : i32
      %add3A_152 = arith.addi %add3A_150, %add3A_151 : i32
      %get3A_153 = arith.index_cast %add3A_152 : i32 to index
      %get3A_154 = tpu.vector_load %arg10[%get3A_153] {strides = array<i32>} : memref<1088xi32, #tpu.memory_space<vmem>>, vector<16xi32>,
      %get3A_155 = arith.index_cast %add3A_150 : i32 to index
      %get3A_156 = tpu.vector_load %arg10[%get3A_155] {strides = array<i32>} : memref<1088xi32, #tpu.memory_space<vmem>>, vector<16xi32>,
      %mul3A_157 = arith.constant 4096 : i32
      %mul3A_158 = arith.muli %scan3A_94, %mul3A_157 : i32
      %add3A_159 = vector.broadcast %mul3A_158 : i32 to vector<16xi32>
      %add3A_160 = arith.addi %add3A_159, %mul3A_40 : vector<16xi32>
      %add3A_161 = arith.addi %add3A_160, %get3A_154 : vector<16xi32>
      %gather3A_162 = tpu.vector_load_idx %arg9[%add3A_161] : memref<65536xf32, #tpu.memory_space<vmem>>[vector<16xi32>], vector<16xf32>,
      %mul3A_163 = arith.constant 64 : i32
      %mul3A_164 = vector.broadcast %mul3A_163 : i32 to vector<16xi32>
      %mul3A_165 = arith.muli %get3A_156, %mul3A_164 : vector<16xi32>
      %add3A_166 = arith.addi %mul3A_43, %mul3A_165 : vector<16xi32>
      %add3A_167 = arith.addi %add3A_166, %get3A_154 : vector<16xi32>
      %gather3A_168 = tpu.vector_load_idx %arg11[%add3A_167] : memref<16384xf32, #tpu.memory_space<vmem>>[vector<16xi32>], vector<16xf32>,
      %add3A_169 = arith.addi %mul3A_46, %get3A_154 : vector<16xi32>
      %gather3A_170 = tpu.vector_load_idx %arg13[%add3A_169] : memref<256xf32, #tpu.memory_space<vmem>>[vector<16xi32>], vector<16xf32>,
      %add3A_171 = arith.addi %mul3A_46, %get3A_154 : vector<16xi32>
      %gather3A_172 = tpu.vector_load_idx %arg12[%add3A_171] : memref<256xf32, #tpu.memory_space<vmem>>[vector<16xi32>], vector<16xf32>,
      %lt3A_173 = vector.broadcast %add3A_99 : i32 to vector<16xi32>
      %lt3A_174 = arith.cmpi slt, %lt3A_173, %get3A_37 : vector<16xi32>
      %jit3A_175 = arith.constant 1.000000e+00 : f32
      %jit3A_176 = arith.constant 0.000000e+00 : f32
      %broadcast_in_dim3A_177 = vector.broadcast %jit3A_175 : f32 to vector<16xf32>
      %broadcast_in_dim3A_178 = vector.broadcast %jit3A_176 : f32 to vector<16xf32>
      %select_n3A_179 = arith.select %lt3A_174, %broadcast_in_dim3A_177, %broadcast_in_dim3A_178 : vector<16xi1>, vector<16xf32>
      %sub3A_180 = arith.constant 1 : i32
      %sub3A_181 = vector.broadcast %sub3A_180 : i32 to vector<16xi32>
      %sub3A_182 = arith.subi %get3A_37, %sub3A_181 : vector<16xi32>
      %eq3A_183 = vector.broadcast %add3A_99 : i32 to vector<16xi32>
      %eq3A_184 = arith.cmpi eq, %eq3A_183, %sub3A_182 : vector<16xi32>
      %jit3A_185 = arith.constant 1.000000e+00 : f32
      %jit3A_186 = arith.constant 0.000000e+00 : f32
      %broadcast_in_dim3A_187 = vector.broadcast %jit3A_185 : f32 to vector<16xf32>
      %broadcast_in_dim3A_188 = vector.broadcast %jit3A_186 : f32 to vector<16xf32>
      %select_n3A_189 = arith.select %eq3A_184, %broadcast_in_dim3A_187, %broadcast_in_dim3A_188 : vector<16xi1>, vector<16xf32>
      %eq3A_190 = arith.constant 0 : i32
      %eq3A_191 = arith.cmpi eq, %add3A_99, %eq3A_190 : i32
      %add3A_192 = arith.addf %gather3A_162, %gather3A_172 : vector<16xf32>
      %add3A_193 = arith.addf %gather3A_162, %gather3A_168 : vector<16xf32>
      %mul3A_194 = arith.mulf %add3A_193, %select_n3A_179 : vector<16xf32>
      %select_n3A_195 = arith.select %eq3A_191, %add3A_192, %mul3A_194 : vector<16xf32>
      %add3A_196 = arith.addf %scan3A_96, %select_n3A_195 : vector<16xf32>
      %mul3A_197 = arith.mulf %gather3A_170, %select_n3A_189 : vector<16xf32>
      %add3A_198 = arith.addf %add3A_196, %mul3A_197 : vector<16xf32>
      %mul3A_199 = arith.constant 64 : i32
      %mul3A_200 = arith.muli %scan3A_94, %mul3A_199 : i32
      %add3A_201 = arith.constant 32 : i32
      %add3A_202 = arith.addi %mul3A_200, %add3A_201 : i32
      %add3A_203 = arith.constant 64 : i32
      %add3A_204 = arith.addi %add3A_202, %add3A_203 : i32
      %get3A_205 = arith.index_cast %add3A_204 : i32 to index
      %get3A_206 = tpu.vector_load %arg10[%get3A_205] {strides = array<i32>} : memref<1088xi32, #tpu.memory_space<vmem>>, vector<16xi32>,
      %get3A_207 = arith.index_cast %add3A_202 : i32 to index
      %get3A_208 = tpu.vector_load %arg10[%get3A_207] {strides = array<i32>} : memref<1088xi32, #tpu.memory_space<vmem>>, vector<16xi32>,
      %mul3A_209 = arith.constant 4096 : i32
      %mul3A_210 = arith.muli %scan3A_94, %mul3A_209 : i32
      %add3A_211 = vector.broadcast %mul3A_210 : i32 to vector<16xi32>
      %add3A_212 = arith.addi %add3A_211, %mul3A_57 : vector<16xi32>
      %add3A_213 = arith.addi %add3A_212, %get3A_206 : vector<16xi32>
      %gather3A_214 = tpu.vector_load_idx %arg9[%add3A_213] : memref<65536xf32, #tpu.memory_space<vmem>>[vector<16xi32>], vector<16xf32>,
      %mul3A_215 = arith.constant 64 : i32
      %mul3A_216 = vector.broadcast %mul3A_215 : i32 to vector<16xi32>
      %mul3A_217 = arith.muli %get3A_208, %mul3A_216 : vector<16xi32>
      %add3A_218 = arith.addi %mul3A_60, %mul3A_217 : vector<16xi32>
      %add3A_219 = arith.addi %add3A_218, %get3A_206 : vector<16xi32>
      %gather3A_220 = tpu.vector_load_idx %arg11[%add3A_219] : memref<16384xf32, #tpu.memory_space<vmem>>[vector<16xi32>], vector<16xf32>,
      %add3A_221 = arith.addi %mul3A_63, %get3A_206 : vector<16xi32>
      %gather3A_222 = tpu.vector_load_idx %arg13[%add3A_221] : memref<256xf32, #tpu.memory_space<vmem>>[vector<16xi32>], vector<16xf32>,
      %add3A_223 = arith.addi %mul3A_63, %get3A_206 : vector<16xi32>
      %gather3A_224 = tpu.vector_load_idx %arg12[%add3A_223] : memref<256xf32, #tpu.memory_space<vmem>>[vector<16xi32>], vector<16xf32>,
      %lt3A_225 = vector.broadcast %add3A_99 : i32 to vector<16xi32>
      %lt3A_226 = arith.cmpi slt, %lt3A_225, %get3A_54 : vector<16xi32>
      %jit3A_227 = arith.constant 1.000000e+00 : f32
      %jit3A_228 = arith.constant 0.000000e+00 : f32
      %broadcast_in_dim3A_229 = vector.broadcast %jit3A_227 : f32 to vector<16xf32>
      %broadcast_in_dim3A_230 = vector.broadcast %jit3A_228 : f32 to vector<16xf32>
      %select_n3A_231 = arith.select %lt3A_226, %broadcast_in_dim3A_229, %broadcast_in_dim3A_230 : vector<16xi1>, vector<16xf32>
      %sub3A_232 = arith.constant 1 : i32
      %sub3A_233 = vector.broadcast %sub3A_232 : i32 to vector<16xi32>
      %sub3A_234 = arith.subi %get3A_54, %sub3A_233 : vector<16xi32>
      %eq3A_235 = vector.broadcast %add3A_99 : i32 to vector<16xi32>
      %eq3A_236 = arith.cmpi eq, %eq3A_235, %sub3A_234 : vector<16xi32>
      %jit3A_237 = arith.constant 1.000000e+00 : f32
      %jit3A_238 = arith.constant 0.000000e+00 : f32
      %broadcast_in_dim3A_239 = vector.broadcast %jit3A_237 : f32 to vector<16xf32>
      %broadcast_in_dim3A_240 = vector.broadcast %jit3A_238 : f32 to vector<16xf32>
      %select_n3A_241 = arith.select %eq3A_236, %broadcast_in_dim3A_239, %broadcast_in_dim3A_240 : vector<16xi1>, vector<16xf32>
      %eq3A_242 = arith.constant 0 : i32
      %eq3A_243 = arith.cmpi eq, %add3A_99, %eq3A_242 : i32
      %add3A_244 = arith.addf %gather3A_214, %gather3A_224 : vector<16xf32>
      %add3A_245 = arith.addf %gather3A_214, %gather3A_220 : vector<16xf32>
      %mul3A_246 = arith.mulf %add3A_245, %select_n3A_231 : vector<16xf32>
      %select_n3A_247 = arith.select %eq3A_243, %add3A_244, %mul3A_246 : vector<16xf32>
      %add3A_248 = arith.addf %scan3A_97, %select_n3A_247 : vector<16xf32>
      %mul3A_249 = arith.mulf %gather3A_222, %select_n3A_241 : vector<16xf32>
      %add3A_250 = arith.addf %add3A_248, %mul3A_249 : vector<16xf32>
      %mul3A_251 = arith.constant 64 : i32
      %mul3A_252 = arith.muli %scan3A_94, %mul3A_251 : i32
      %add3A_253 = arith.constant 48 : i32
      %add3A_254 = arith.addi %mul3A_252, %add3A_253 : i32
      %add3A_255 = arith.constant 64 : i32
      %add3A_256 = arith.addi %add3A_254, %add3A_255 : i32
      %get3A_257 = arith.index_cast %add3A_256 : i32 to index
      %get3A_258 = tpu.vector_load %arg10[%get3A_257] {strides = array<i32>} : memref<1088xi32, #tpu.memory_space<vmem>>, vector<16xi32>,
      %get3A_259 = arith.index_cast %add3A_254 : i32 to index
      %get3A_260 = tpu.vector_load %arg10[%get3A_259] {strides = array<i32>} : memref<1088xi32, #tpu.memory_space<vmem>>, vector<16xi32>,
      %mul3A_261 = arith.constant 4096 : i32
      %mul3A_262 = arith.muli %scan3A_94, %mul3A_261 : i32
      %add3A_263 = vector.broadcast %mul3A_262 : i32 to vector<16xi32>
      %add3A_264 = arith.addi %add3A_263, %mul3A_74 : vector<16xi32>
      %add3A_265 = arith.addi %add3A_264, %get3A_258 : vector<16xi32>
      %gather3A_266 = tpu.vector_load_idx %arg9[%add3A_265] : memref<65536xf32, #tpu.memory_space<vmem>>[vector<16xi32>], vector<16xf32>,
      %mul3A_267 = arith.constant 64 : i32
      %mul3A_268 = vector.broadcast %mul3A_267 : i32 to vector<16xi32>
      %mul3A_269 = arith.muli %get3A_260, %mul3A_268 : vector<16xi32>
      %add3A_270 = arith.addi %mul3A_77, %mul3A_269 : vector<16xi32>
      %add3A_271 = arith.addi %add3A_270, %get3A_258 : vector<16xi32>
      %gather3A_272 = tpu.vector_load_idx %arg11[%add3A_271] : memref<16384xf32, #tpu.memory_space<vmem>>[vector<16xi32>], vector<16xf32>,
      %add3A_273 = arith.addi %mul3A_80, %get3A_258 : vector<16xi32>
      %gather3A_274 = tpu.vector_load_idx %arg13[%add3A_273] : memref<256xf32, #tpu.memory_space<vmem>>[vector<16xi32>], vector<16xf32>,
      %add3A_275 = arith.addi %mul3A_80, %get3A_258 : vector<16xi32>
      %gather3A_276 = tpu.vector_load_idx %arg12[%add3A_275] : memref<256xf32, #tpu.memory_space<vmem>>[vector<16xi32>], vector<16xf32>,
      %lt3A_277 = vector.broadcast %add3A_99 : i32 to vector<16xi32>
      %lt3A_278 = arith.cmpi slt, %lt3A_277, %get3A_71 : vector<16xi32>
      %jit3A_279 = arith.constant 1.000000e+00 : f32
      %jit3A_280 = arith.constant 0.000000e+00 : f32
      %broadcast_in_dim3A_281 = vector.broadcast %jit3A_279 : f32 to vector<16xf32>
      %broadcast_in_dim3A_282 = vector.broadcast %jit3A_280 : f32 to vector<16xf32>
      %select_n3A_283 = arith.select %lt3A_278, %broadcast_in_dim3A_281, %broadcast_in_dim3A_282 : vector<16xi1>, vector<16xf32>
      %sub3A_284 = arith.constant 1 : i32
      %sub3A_285 = vector.broadcast %sub3A_284 : i32 to vector<16xi32>
      %sub3A_286 = arith.subi %get3A_71, %sub3A_285 : vector<16xi32>
      %eq3A_287 = vector.broadcast %add3A_99 : i32 to vector<16xi32>
      %eq3A_288 = arith.cmpi eq, %eq3A_287, %sub3A_286 : vector<16xi32>
      %jit3A_289 = arith.constant 1.000000e+00 : f32
      %jit3A_290 = arith.constant 0.000000e+00 : f32
      %broadcast_in_dim3A_291 = vector.broadcast %jit3A_289 : f32 to vector<16xf32>
      %broadcast_in_dim3A_292 = vector.broadcast %jit3A_290 : f32 to vector<16xf32>
      %select_n3A_293 = arith.select %eq3A_288, %broadcast_in_dim3A_291, %broadcast_in_dim3A_292 : vector<16xi1>, vector<16xf32>
      %eq3A_294 = arith.constant 0 : i32
      %eq3A_295 = arith.cmpi eq, %add3A_99, %eq3A_294 : i32
      %add3A_296 = arith.addf %gather3A_266, %gather3A_276 : vector<16xf32>
      %add3A_297 = arith.addf %gather3A_266, %gather3A_272 : vector<16xf32>
      %mul3A_298 = arith.mulf %add3A_297, %select_n3A_283 : vector<16xf32>
      %select_n3A_299 = arith.select %eq3A_295, %add3A_296, %mul3A_298 : vector<16xf32>
      %add3A_300 = arith.addf %scan3A_98, %select_n3A_299 : vector<16xf32>
      %mul3A_301 = arith.mulf %gather3A_274, %select_n3A_293 : vector<16xf32>
      %add3A_302 = arith.addf %add3A_300, %mul3A_301 : vector<16xf32>
      scf.yield %add3A_146, %add3A_198, %add3A_250, %add3A_302 : vector<16xf32>, vector<16xf32>, vector<16xf32>, vector<16xf32>
    }
    %scan3A_86 = arith.constant 16 : i32
    %swap3A = arith.constant 0 : index
    %swap3A_87 = tpu.vector_load %arg15[%swap3A] {strides = array<i32>} : memref<64xf32, #tpu.memory_space<vmem>>, vector<16xf32>,
    tpu.vector_store %arg15[%swap3A], %scan3A_85#0 {strides = array<i32>} : memref<64xf32, #tpu.memory_space<vmem>>, vector<16xf32>,
    %swap3A_88 = arith.constant 16 : index
    %swap3A_89 = tpu.vector_load %arg15[%swap3A_88] {strides = array<i32>} : memref<64xf32, #tpu.memory_space<vmem>>, vector<16xf32>,
    tpu.vector_store %arg15[%swap3A_88], %scan3A_85#1 {strides = array<i32>} : memref<64xf32, #tpu.memory_space<vmem>>, vector<16xf32>,
    %swap3A_90 = arith.constant 32 : index
    %swap3A_91 = tpu.vector_load %arg15[%swap3A_90] {strides = array<i32>} : memref<64xf32, #tpu.memory_space<vmem>>, vector<16xf32>,
    tpu.vector_store %arg15[%swap3A_90], %scan3A_85#2 {strides = array<i32>} : memref<64xf32, #tpu.memory_space<vmem>>, vector<16xf32>,
    %swap3A_92 = arith.constant 48 : index
    %swap3A_93 = tpu.vector_load %arg15[%swap3A_92] {strides = array<i32>} : memref<64xf32, #tpu.memory_space<vmem>>, vector<16xf32>,
    tpu.vector_store %arg15[%swap3A_92], %scan3A_85#3 {strides = array<i32>} : memref<64xf32, #tpu.memory_space<vmem>>, vector<16xf32>,
    "tpu.region"() ({
      %run_scoped3A = tpu.sem_alloc : memref<!tpu.dma_semaphore, #tpu.memory_space<semaphore_mem>>
      %dma_start3A = arith.constant 0 : i32
      %dma_start3A_94 = tpu.memref_slice %arg8[%add3A, %dma_start3A] : memref<32x64xf32, #tpu.memory_space<hbm>> -> memref<1x64xf32, #tpu.memory_space<hbm>>
      %dma_start3A_95 = tpu.memref_squeeze %dma_start3A_94 : memref<1x64xf32, #tpu.memory_space<hbm>> -> memref<64xf32, #tpu.memory_space<hbm>>
      %dma_start3A_96 = arith.constant 0 : i32
      %dma_start3A_97 = tpu.memref_slice %arg8[%add3A, %dma_start3A_96] : memref<32x64xf32, #tpu.memory_space<hbm>> -> memref<1x64xf32, #tpu.memory_space<hbm>>
      %dma_start3A_98 = tpu.memref_squeeze %dma_start3A_97 : memref<1x64xf32, #tpu.memory_space<hbm>> -> memref<64xf32, #tpu.memory_space<hbm>>
      tpu.enqueue_dma source(%arg15 : memref<64xf32, #tpu.memory_space<vmem>>) target(%dma_start3A_98 : memref<64xf32, #tpu.memory_space<hbm>>) target_semaphore(%run_scoped3A : memref<!tpu.dma_semaphore, #tpu.memory_space<semaphore_mem>>)
      %dma_wait3A = arith.constant 0 : i32
      %dma_wait3A_99 = tpu.memref_slice %arg8[%add3A, %dma_wait3A] : memref<32x64xf32, #tpu.memory_space<hbm>> -> memref<1x64xf32, #tpu.memory_space<hbm>>
      %dma_wait3A_100 = tpu.memref_squeeze %dma_wait3A_99 : memref<1x64xf32, #tpu.memory_space<hbm>> -> memref<64xf32, #tpu.memory_space<hbm>>
      %dma_wait3A_101 = arith.constant 0 : i32
      %dma_wait3A_102 = tpu.memref_slice %arg8[%add3A, %dma_wait3A_101] : memref<32x64xf32, #tpu.memory_space<hbm>> -> memref<1x64xf32, #tpu.memory_space<hbm>>
      %dma_wait3A_103 = tpu.memref_squeeze %dma_wait3A_102 : memref<1x64xf32, #tpu.memory_space<hbm>> -> memref<64xf32, #tpu.memory_space<hbm>>
      tpu.wait_dma2 semaphore(%run_scoped3A : memref<!tpu.dma_semaphore, #tpu.memory_space<semaphore_mem>>) src(%arg15 : memref<64xf32, #tpu.memory_space<vmem>>) dst(%dma_wait3A_103 : memref<64xf32, #tpu.memory_space<hbm>>)
      tpu.yield
    }) : () -> ()
    return
  }
}

module attributes {stable_mosaic.version = 14 : i64} {
  func.func @_den_body(%arg0: memref<512x16x256xf32, #tpu.memory_space<vmem>>, %arg1: memref<16x1xi32, #tpu.memory_space<vmem>>, %arg2: memref<256x256xf32, #tpu.memory_space<vmem>>, %arg3: memref<1x256xf32, #tpu.memory_space<vmem>>, %arg4: memref<1x256xf32, #tpu.memory_space<vmem>>, %arg5: memref<16x4xf32, #tpu.memory_space<vmem>>) attributes {dimension_semantics = [], scalar_prefetch = 0 : i64, scratch_operands = 0 : i64, tpu.core_type = #tpu.core_type<tc>} {
    %iota3A = tpu.iota {dimensions = array<i32: 1>} : vector<4x256xi32>
    %jit3A = arith.constant 64 : i32
    %div3A = vector.broadcast %jit3A : i32 to vector<4x256xi32>
    %div3A_0 = arith.divsi %iota3A, %div3A : vector<4x256xi32>
    %sign3A = arith.constant 0 : i32
    %sign3A_1 = vector.broadcast %sign3A : i32 to vector<4x256xi32>
    %sign3A_2 = arith.cmpi sgt, %iota3A, %sign3A_1 : vector<4x256xi32>
    %sign3A_3 = arith.extui %sign3A_2 : vector<4x256xi1> to vector<4x256xi32>
    %sign3A_4 = arith.constant 0 : i32
    %sign3A_5 = vector.broadcast %sign3A_4 : i32 to vector<4x256xi32>
    %sign3A_6 = arith.cmpi slt, %iota3A, %sign3A_5 : vector<4x256xi32>
    %sign3A_7 = arith.extui %sign3A_6 : vector<4x256xi1> to vector<4x256xi32>
    %sign3A_8 = arith.subi %sign3A_3, %sign3A_7 : vector<4x256xi32>
    %sign3A_9 = arith.constant 0 : i32
    %sign3A_10 = arith.cmpi sgt, %jit3A, %sign3A_9 : i32
    %sign3A_11 = arith.extui %sign3A_10 : i1 to i32
    %sign3A_12 = arith.constant 0 : i32
    %sign3A_13 = arith.cmpi slt, %jit3A, %sign3A_12 : i32
    %sign3A_14 = arith.extui %sign3A_13 : i1 to i32
    %sign3A_15 = arith.subi %sign3A_11, %sign3A_14 : i32
    %ne3A = vector.broadcast %sign3A_15 : i32 to vector<4x256xi32>
    %ne3A_16 = arith.cmpi ne, %sign3A_8, %ne3A : vector<4x256xi32>
    %rem3A = vector.broadcast %jit3A : i32 to vector<4x256xi32>
    %rem3A_17 = arith.remsi %iota3A, %rem3A : vector<4x256xi32>
    %ne3A_18 = arith.constant 0 : i32
    %ne3A_19 = vector.broadcast %ne3A_18 : i32 to vector<4x256xi32>
    %ne3A_20 = arith.cmpi ne, %rem3A_17, %ne3A_19 : vector<4x256xi32>
    %and3A = arith.andi %ne3A_16, %ne3A_20 : vector<4x256xi1>
    %sub3A = arith.constant 1 : i32
    %sub3A_21 = vector.broadcast %sub3A : i32 to vector<4x256xi32>
    %sub3A_22 = arith.subi %div3A_0, %sub3A_21 : vector<4x256xi32>
    %select_n3A = arith.select %and3A, %sub3A_22, %div3A_0 : vector<4x256xi1>, vector<4x256xi32>
    %iota3A_23 = tpu.iota {dimensions = array<i32: 0>} : vector<4x256xi32>
    %eq3A = arith.cmpi eq, %select_n3A, %iota3A_23 : vector<4x256xi32>
    %convert_element_type3A = arith.extui %eq3A : vector<4x256xi1> to vector<4x256xi32>
    %convert_element_type3A_24 = arith.sitofp %convert_element_type3A : vector<4x256xi32> to vector<4x256xf32>
    %transpose3A = tpu.transpose %convert_element_type3A_24, [1, 0] : vector<4x256xf32> -> vector<256x4xf32>
    %get3A = arith.constant 0 : index
    %get3A_25 = arith.constant 0 : index
    %get3A_26 = vector.load %arg2[%get3A, %get3A_25] : memref<256x256xf32, #tpu.memory_space<vmem>>, vector<256x256xf32>
    %exp3A = math.exp %get3A_26 : vector<256x256xf32>
    %convert_element_type3A_27 = arith.truncf %exp3A : vector<256x256xf32> to vector<256x256xbf16>
    %get3A_28 = arith.constant 0 : index
    %get3A_29 = arith.constant 0 : index
    %get3A_30 = vector.load %arg4[%get3A_28, %get3A_29] : memref<1x256xf32, #tpu.memory_space<vmem>>, vector<1x256xf32>
    %exp3A_31 = math.exp %get3A_30 : vector<1x256xf32>
    %get3A_32 = arith.constant 0 : index
    %get3A_33 = arith.constant 0 : index
    %get3A_34 = vector.load %arg1[%get3A_32, %get3A_33] : memref<16x1xi32, #tpu.memory_space<vmem>>, vector<16x1xi32>
    %get3A_35 = arith.constant 0 : index
    %get3A_36 = arith.constant 0 : index
    %get3A_37 = vector.load %arg3[%get3A_35, %get3A_36] : memref<1x256xf32, #tpu.memory_space<vmem>>, vector<1x256xf32>
    %get3A_38 = arith.constant 0 : index
    %get3A_39 = arith.constant 0 : index
    %get3A_40 = arith.constant 0 : index
    %get3A_41 = vector.load %arg0[%get3A_38, %get3A_39, %get3A_40] : memref<512x16x256xf32, #tpu.memory_space<vmem>>, vector<1x16x256xf32>
    %get3A_42 = vector.shape_cast %get3A_41 : vector<1x16x256xf32> to vector<16x256xf32>
    %add3A = vector.broadcast %get3A_37 : vector<1x256xf32> to vector<16x256xf32>
    %add3A_43 = arith.addf %add3A, %get3A_42 : vector<16x256xf32>
    %exp3A_44 = math.exp %add3A_43 : vector<16x256xf32>
    %convert_element_type3A_45 = arith.truncf %exp3A_44 : vector<16x256xf32> to vector<16x256xbf16>
    %convert_element_type3A_46 = arith.truncf %transpose3A : vector<256x4xf32> to vector<256x4xbf16>
    %dot_general3A = arith.constant dense<0.000000e+00> : vector<16x4xf32>
    %dot_general3A_47 = tpu.matmul %convert_element_type3A_45, %convert_element_type3A_46, %dot_general3A {dimension_numbers = #tpu.dot_dimension_numbers<[1], [0], [0], [1], [0, 0, 1, 1], [], []>, transpose_lhs_hint = false} : vector<16x256xbf16>, vector<256x4xbf16>, vector<16x4xf32> -> vector<16x4xf32>
    %convert_element_type3A_48 = arith.truncf %dot_general3A_47 : vector<16x4xf32> to vector<16x4xbf16>
    %convert_element_type3A_49 = arith.truncf %convert_element_type3A_24 : vector<4x256xf32> to vector<4x256xbf16>
    %dot_general3A_50 = arith.constant dense<0.000000e+00> : vector<16x256xf32>
    %dot_general3A_51 = tpu.matmul %convert_element_type3A_48, %convert_element_type3A_49, %dot_general3A_50 {dimension_numbers = #tpu.dot_dimension_numbers<[1], [0], [0], [1], [0, 0, 1, 1], [], []>, transpose_lhs_hint = false} : vector<16x4xbf16>, vector<4x256xbf16>, vector<16x256xf32> -> vector<16x256xf32>
    %div3A_52 = arith.constant 1.000000e+00 : f32
    %div3A_53 = vector.broadcast %div3A_52 : f32 to vector<16x256xf32>
    %div3A_54 = arith.divf %div3A_53, %dot_general3A_51 : vector<16x256xf32>
    %mul3A = arith.mulf %exp3A_44, %div3A_54 : vector<16x256xf32>
    %log3A = math.log %dot_general3A_47 : vector<16x4xf32>
    %scan3A = arith.constant 0 : i32
    %scan3A_55 = arith.constant 63 : i32
    %scan3A_56 = arith.addi %scan3A, %scan3A_55 : i32
    %scan3A_57 = arith.constant 3 : i32
    %scan3A_58:4 = scf.for %scan3A_221 = %scan3A to %scan3A_56 step %scan3A_57 iter_args(%scan3A_222 = %mul3A, %scan3A_223 = %log3A, %scan3A_224 = %mul3A, %scan3A_225 = %log3A) -> (vector<16x256xf32>, vector<16x4xf32>, vector<16x256xf32>, vector<16x4xf32>)  : i32 {
      %convert_element_type3A_226 = arith.truncf %scan3A_222 : vector<16x256xf32> to vector<16x256xbf16>
      %convert_element_type3A_227 = arith.truncf %transpose3A : vector<256x4xf32> to vector<256x4xbf16>
      %dot_general3A_228 = arith.constant dense<0.000000e+00> : vector<16x4xf32>
      %dot_general3A_229 = tpu.matmul %convert_element_type3A_226, %convert_element_type3A_227, %dot_general3A_228 {dimension_numbers = #tpu.dot_dimension_numbers<[1], [0], [0], [1], [0, 0, 1, 1], [], []>, transpose_lhs_hint = false} : vector<16x256xbf16>, vector<256x4xbf16>, vector<16x4xf32> -> vector<16x4xf32>
      %convert_element_type3A_230 = arith.truncf %dot_general3A_229 : vector<16x4xf32> to vector<16x4xbf16>
      %convert_element_type3A_231 = arith.truncf %convert_element_type3A_24 : vector<4x256xf32> to vector<4x256xbf16>
      %dot_general3A_232 = arith.constant dense<0.000000e+00> : vector<16x256xf32>
      %dot_general3A_233 = tpu.matmul %convert_element_type3A_230, %convert_element_type3A_231, %dot_general3A_232 {dimension_numbers = #tpu.dot_dimension_numbers<[1], [0], [0], [1], [0, 0, 1, 1], [], []>, transpose_lhs_hint = false} : vector<16x4xbf16>, vector<4x256xbf16>, vector<16x256xf32> -> vector<16x256xf32>
      %div3A_234 = arith.constant 1.000000e+00 : f32
      %div3A_235 = vector.broadcast %div3A_234 : f32 to vector<16x256xf32>
      %div3A_236 = arith.divf %div3A_235, %dot_general3A_233 : vector<16x256xf32>
      %mul3A_237 = arith.constant 8 : i32
      %mul3A_238 = arith.muli %scan3A_221, %mul3A_237 : i32
      %add3A_239 = arith.constant 1 : i32
      %add3A_240 = arith.addi %add3A_239, %mul3A_238 : i32
      %add3A_241 = arith.constant 0 : i32
      %add3A_242 = arith.addi %add3A_240, %add3A_241 : i32
      %convert_element_type3A_243 = arith.truncf %scan3A_222 : vector<16x256xf32> to vector<16x256xbf16>
      %dot_general3A_244 = arith.constant dense<0.000000e+00> : vector<16x256xf32>
      %dot_general3A_245 = tpu.matmul %convert_element_type3A_243, %convert_element_type3A_27, %dot_general3A_244 {dimension_numbers = #tpu.dot_dimension_numbers<[1], [0], [0], [1], [0, 0, 1, 1], [], []>, transpose_lhs_hint = false} : vector<16x256xbf16>, vector<256x256xbf16>, vector<16x256xf32> -> vector<16x256xf32>
      %get3A_246 = arith.index_cast %add3A_242 : i32 to index
      %get3A_247 = arith.constant 0 : index
      %get3A_248 = arith.constant 0 : index
      %get3A_249 = vector.load %arg0[%get3A_246, %get3A_247, %get3A_248] : memref<512x16x256xf32, #tpu.memory_space<vmem>>, vector<1x16x256xf32>
      %get3A_250 = vector.shape_cast %get3A_249 : vector<1x16x256xf32> to vector<16x256xf32>
      %exp3A_251 = math.exp %get3A_250 : vector<16x256xf32>
      %mul3A_252 = arith.mulf %dot_general3A_245, %exp3A_251 : vector<16x256xf32>
      %sub3A_253 = arith.constant 1 : i32
      %sub3A_254 = vector.broadcast %sub3A_253 : i32 to vector<16x1xi32>
      %sub3A_255 = arith.subi %get3A_34, %sub3A_254 : vector<16x1xi32>
      %eq3A_256 = vector.broadcast %add3A_242 : i32 to vector<16x1xi32>
      %eq3A_257 = arith.cmpi eq, %eq3A_256, %sub3A_255 : vector<16x1xi32>
      %broadcast_in_dim3A_258 = vector.shape_cast %eq3A_257 : vector<16x1xi1> to vector<16x1xi1>
      %broadcast_in_dim3A_259 = vector.broadcast %broadcast_in_dim3A_258 : vector<16x1xi1> to vector<16x256xi1>
      %select_n3A_260 = arith.select %broadcast_in_dim3A_259, %mul3A_252, %scan3A_224 : vector<16x256xi1>, vector<16x256xf32>
      %broadcast_in_dim3A_261 = vector.shape_cast %eq3A_257 : vector<16x1xi1> to vector<16x1xi1>
      %broadcast_in_dim3A_262 = vector.broadcast %broadcast_in_dim3A_261 : vector<16x1xi1> to vector<16x4xi1>
      %select_n3A_263 = arith.select %broadcast_in_dim3A_262, %scan3A_223, %scan3A_225 : vector<16x4xi1>, vector<16x4xf32>
      %add3A_264 = arith.constant 1 : i32
      %add3A_265 = arith.addi %add3A_240, %add3A_264 : i32
      %convert_element_type3A_266 = arith.truncf %mul3A_252 : vector<16x256xf32> to vector<16x256xbf16>
      %dot_general3A_267 = arith.constant dense<0.000000e+00> : vector<16x256xf32>
      %dot_general3A_268 = tpu.matmul %convert_element_type3A_266, %convert_element_type3A_27, %dot_general3A_267 {dimension_numbers = #tpu.dot_dimension_numbers<[1], [0], [0], [1], [0, 0, 1, 1], [], []>, transpose_lhs_hint = false} : vector<16x256xbf16>, vector<256x256xbf16>, vector<16x256xf32> -> vector<16x256xf32>
      %get3A_269 = arith.index_cast %add3A_265 : i32 to index
      %get3A_270 = arith.constant 0 : index
      %get3A_271 = arith.constant 0 : index
      %get3A_272 = vector.load %arg0[%get3A_269, %get3A_270, %get3A_271] : memref<512x16x256xf32, #tpu.memory_space<vmem>>, vector<1x16x256xf32>
      %get3A_273 = vector.shape_cast %get3A_272 : vector<1x16x256xf32> to vector<16x256xf32>
      %exp3A_274 = math.exp %get3A_273 : vector<16x256xf32>
      %mul3A_275 = arith.mulf %dot_general3A_268, %exp3A_274 : vector<16x256xf32>
      %sub3A_276 = arith.constant 1 : i32
      %sub3A_277 = vector.broadcast %sub3A_276 : i32 to vector<16x1xi32>
      %sub3A_278 = arith.subi %get3A_34, %sub3A_277 : vector<16x1xi32>
      %eq3A_279 = vector.broadcast %add3A_265 : i32 to vector<16x1xi32>
      %eq3A_280 = arith.cmpi eq, %eq3A_279, %sub3A_278 : vector<16x1xi32>
      %broadcast_in_dim3A_281 = vector.shape_cast %eq3A_280 : vector<16x1xi1> to vector<16x1xi1>
      %broadcast_in_dim3A_282 = vector.broadcast %broadcast_in_dim3A_281 : vector<16x1xi1> to vector<16x256xi1>
      %select_n3A_283 = arith.select %broadcast_in_dim3A_282, %mul3A_275, %select_n3A_260 : vector<16x256xi1>, vector<16x256xf32>
      %broadcast_in_dim3A_284 = vector.shape_cast %eq3A_280 : vector<16x1xi1> to vector<16x1xi1>
      %broadcast_in_dim3A_285 = vector.broadcast %broadcast_in_dim3A_284 : vector<16x1xi1> to vector<16x4xi1>
      %select_n3A_286 = arith.select %broadcast_in_dim3A_285, %scan3A_223, %select_n3A_263 : vector<16x4xi1>, vector<16x4xf32>
      %add3A_287 = arith.constant 2 : i32
      %add3A_288 = arith.addi %add3A_240, %add3A_287 : i32
      %convert_element_type3A_289 = arith.truncf %mul3A_275 : vector<16x256xf32> to vector<16x256xbf16>
      %dot_general3A_290 = arith.constant dense<0.000000e+00> : vector<16x256xf32>
      %dot_general3A_291 = tpu.matmul %convert_element_type3A_289, %convert_element_type3A_27, %dot_general3A_290 {dimension_numbers = #tpu.dot_dimension_numbers<[1], [0], [0], [1], [0, 0, 1, 1], [], []>, transpose_lhs_hint = false} : vector<16x256xbf16>, vector<256x256xbf16>, vector<16x256xf32> -> vector<16x256xf32>
      %get3A_292 = arith.index_cast %add3A_288 : i32 to index
      %get3A_293 = arith.constant 0 : index
      %get3A_294 = arith.constant 0 : index
      %get3A_295 = vector.load %arg0[%get3A_292, %get3A_293, %get3A_294] : memref<512x16x256xf32, #tpu.memory_space<vmem>>, vector<1x16x256xf32>
      %get3A_296 = vector.shape_cast %get3A_295 : vector<1x16x256xf32> to vector<16x256xf32>
      %exp3A_297 = math.exp %get3A_296 : vector<16x256xf32>
      %mul3A_298 = arith.mulf %dot_general3A_291, %exp3A_297 : vector<16x256xf32>
      %sub3A_299 = arith.constant 1 : i32
      %sub3A_300 = vector.broadcast %sub3A_299 : i32 to vector<16x1xi32>
      %sub3A_301 = arith.subi %get3A_34, %sub3A_300 : vector<16x1xi32>
      %eq3A_302 = vector.broadcast %add3A_288 : i32 to vector<16x1xi32>
      %eq3A_303 = arith.cmpi eq, %eq3A_302, %sub3A_301 : vector<16x1xi32>
      %broadcast_in_dim3A_304 = vector.shape_cast %eq3A_303 : vector<16x1xi1> to vector<16x1xi1>
      %broadcast_in_dim3A_305 = vector.broadcast %broadcast_in_dim3A_304 : vector<16x1xi1> to vector<16x256xi1>
      %select_n3A_306 = arith.select %broadcast_in_dim3A_305, %mul3A_298, %select_n3A_283 : vector<16x256xi1>, vector<16x256xf32>
      %broadcast_in_dim3A_307 = vector.shape_cast %eq3A_303 : vector<16x1xi1> to vector<16x1xi1>
      %broadcast_in_dim3A_308 = vector.broadcast %broadcast_in_dim3A_307 : vector<16x1xi1> to vector<16x4xi1>
      %select_n3A_309 = arith.select %broadcast_in_dim3A_308, %scan3A_223, %select_n3A_286 : vector<16x4xi1>, vector<16x4xf32>
      %add3A_310 = arith.constant 3 : i32
      %add3A_311 = arith.addi %add3A_240, %add3A_310 : i32
      %convert_element_type3A_312 = arith.truncf %mul3A_298 : vector<16x256xf32> to vector<16x256xbf16>
      %dot_general3A_313 = arith.constant dense<0.000000e+00> : vector<16x256xf32>
      %dot_general3A_314 = tpu.matmul %convert_element_type3A_312, %convert_element_type3A_27, %dot_general3A_313 {dimension_numbers = #tpu.dot_dimension_numbers<[1], [0], [0], [1], [0, 0, 1, 1], [], []>, transpose_lhs_hint = false} : vector<16x256xbf16>, vector<256x256xbf16>, vector<16x256xf32> -> vector<16x256xf32>
      %get3A_315 = arith.index_cast %add3A_311 : i32 to index
      %get3A_316 = arith.constant 0 : index
      %get3A_317 = arith.constant 0 : index
      %get3A_318 = vector.load %arg0[%get3A_315, %get3A_316, %get3A_317] : memref<512x16x256xf32, #tpu.memory_space<vmem>>, vector<1x16x256xf32>
      %get3A_319 = vector.shape_cast %get3A_318 : vector<1x16x256xf32> to vector<16x256xf32>
      %exp3A_320 = math.exp %get3A_319 : vector<16x256xf32>
      %mul3A_321 = arith.mulf %dot_general3A_314, %exp3A_320 : vector<16x256xf32>
      %sub3A_322 = arith.constant 1 : i32
      %sub3A_323 = vector.broadcast %sub3A_322 : i32 to vector<16x1xi32>
      %sub3A_324 = arith.subi %get3A_34, %sub3A_323 : vector<16x1xi32>
      %eq3A_325 = vector.broadcast %add3A_311 : i32 to vector<16x1xi32>
      %eq3A_326 = arith.cmpi eq, %eq3A_325, %sub3A_324 : vector<16x1xi32>
      %broadcast_in_dim3A_327 = vector.shape_cast %eq3A_326 : vector<16x1xi1> to vector<16x1xi1>
      %broadcast_in_dim3A_328 = vector.broadcast %broadcast_in_dim3A_327 : vector<16x1xi1> to vector<16x256xi1>
      %select_n3A_329 = arith.select %broadcast_in_dim3A_328, %mul3A_321, %select_n3A_306 : vector<16x256xi1>, vector<16x256xf32>
      %broadcast_in_dim3A_330 = vector.shape_cast %eq3A_326 : vector<16x1xi1> to vector<16x1xi1>
      %broadcast_in_dim3A_331 = vector.broadcast %broadcast_in_dim3A_330 : vector<16x1xi1> to vector<16x4xi1>
      %select_n3A_332 = arith.select %broadcast_in_dim3A_331, %scan3A_223, %select_n3A_309 : vector<16x4xi1>, vector<16x4xf32>
      %add3A_333 = arith.constant 4 : i32
      %add3A_334 = arith.addi %add3A_240, %add3A_333 : i32
      %convert_element_type3A_335 = arith.truncf %mul3A_321 : vector<16x256xf32> to vector<16x256xbf16>
      %dot_general3A_336 = arith.constant dense<0.000000e+00> : vector<16x256xf32>
      %dot_general3A_337 = tpu.matmul %convert_element_type3A_335, %convert_element_type3A_27, %dot_general3A_336 {dimension_numbers = #tpu.dot_dimension_numbers<[1], [0], [0], [1], [0, 0, 1, 1], [], []>, transpose_lhs_hint = false} : vector<16x256xbf16>, vector<256x256xbf16>, vector<16x256xf32> -> vector<16x256xf32>
      %get3A_338 = arith.index_cast %add3A_334 : i32 to index
      %get3A_339 = arith.constant 0 : index
      %get3A_340 = arith.constant 0 : index
      %get3A_341 = vector.load %arg0[%get3A_338, %get3A_339, %get3A_340] : memref<512x16x256xf32, #tpu.memory_space<vmem>>, vector<1x16x256xf32>
      %get3A_342 = vector.shape_cast %get3A_341 : vector<1x16x256xf32> to vector<16x256xf32>
      %exp3A_343 = math.exp %get3A_342 : vector<16x256xf32>
      %mul3A_344 = arith.mulf %dot_general3A_337, %exp3A_343 : vector<16x256xf32>
      %sub3A_345 = arith.constant 1 : i32
      %sub3A_346 = vector.broadcast %sub3A_345 : i32 to vector<16x1xi32>
      %sub3A_347 = arith.subi %get3A_34, %sub3A_346 : vector<16x1xi32>
      %eq3A_348 = vector.broadcast %add3A_334 : i32 to vector<16x1xi32>
      %eq3A_349 = arith.cmpi eq, %eq3A_348, %sub3A_347 : vector<16x1xi32>
      %broadcast_in_dim3A_350 = vector.shape_cast %eq3A_349 : vector<16x1xi1> to vector<16x1xi1>
      %broadcast_in_dim3A_351 = vector.broadcast %broadcast_in_dim3A_350 : vector<16x1xi1> to vector<16x256xi1>
      %select_n3A_352 = arith.select %broadcast_in_dim3A_351, %mul3A_344, %select_n3A_329 : vector<16x256xi1>, vector<16x256xf32>
      %broadcast_in_dim3A_353 = vector.shape_cast %eq3A_349 : vector<16x1xi1> to vector<16x1xi1>
      %broadcast_in_dim3A_354 = vector.broadcast %broadcast_in_dim3A_353 : vector<16x1xi1> to vector<16x4xi1>
      %select_n3A_355 = arith.select %broadcast_in_dim3A_354, %scan3A_223, %select_n3A_332 : vector<16x4xi1>, vector<16x4xf32>
      %add3A_356 = arith.constant 5 : i32
      %add3A_357 = arith.addi %add3A_240, %add3A_356 : i32
      %convert_element_type3A_358 = arith.truncf %mul3A_344 : vector<16x256xf32> to vector<16x256xbf16>
      %dot_general3A_359 = arith.constant dense<0.000000e+00> : vector<16x256xf32>
      %dot_general3A_360 = tpu.matmul %convert_element_type3A_358, %convert_element_type3A_27, %dot_general3A_359 {dimension_numbers = #tpu.dot_dimension_numbers<[1], [0], [0], [1], [0, 0, 1, 1], [], []>, transpose_lhs_hint = false} : vector<16x256xbf16>, vector<256x256xbf16>, vector<16x256xf32> -> vector<16x256xf32>
      %get3A_361 = arith.index_cast %add3A_357 : i32 to index
      %get3A_362 = arith.constant 0 : index
      %get3A_363 = arith.constant 0 : index
      %get3A_364 = vector.load %arg0[%get3A_361, %get3A_362, %get3A_363] : memref<512x16x256xf32, #tpu.memory_space<vmem>>, vector<1x16x256xf32>
      %get3A_365 = vector.shape_cast %get3A_364 : vector<1x16x256xf32> to vector<16x256xf32>
      %exp3A_366 = math.exp %get3A_365 : vector<16x256xf32>
      %mul3A_367 = arith.mulf %dot_general3A_360, %exp3A_366 : vector<16x256xf32>
      %sub3A_368 = arith.constant 1 : i32
      %sub3A_369 = vector.broadcast %sub3A_368 : i32 to vector<16x1xi32>
      %sub3A_370 = arith.subi %get3A_34, %sub3A_369 : vector<16x1xi32>
      %eq3A_371 = vector.broadcast %add3A_357 : i32 to vector<16x1xi32>
      %eq3A_372 = arith.cmpi eq, %eq3A_371, %sub3A_370 : vector<16x1xi32>
      %broadcast_in_dim3A_373 = vector.shape_cast %eq3A_372 : vector<16x1xi1> to vector<16x1xi1>
      %broadcast_in_dim3A_374 = vector.broadcast %broadcast_in_dim3A_373 : vector<16x1xi1> to vector<16x256xi1>
      %select_n3A_375 = arith.select %broadcast_in_dim3A_374, %mul3A_367, %select_n3A_352 : vector<16x256xi1>, vector<16x256xf32>
      %broadcast_in_dim3A_376 = vector.shape_cast %eq3A_372 : vector<16x1xi1> to vector<16x1xi1>
      %broadcast_in_dim3A_377 = vector.broadcast %broadcast_in_dim3A_376 : vector<16x1xi1> to vector<16x4xi1>
      %select_n3A_378 = arith.select %broadcast_in_dim3A_377, %scan3A_223, %select_n3A_355 : vector<16x4xi1>, vector<16x4xf32>
      %add3A_379 = arith.constant 6 : i32
      %add3A_380 = arith.addi %add3A_240, %add3A_379 : i32
      %convert_element_type3A_381 = arith.truncf %mul3A_367 : vector<16x256xf32> to vector<16x256xbf16>
      %dot_general3A_382 = arith.constant dense<0.000000e+00> : vector<16x256xf32>
      %dot_general3A_383 = tpu.matmul %convert_element_type3A_381, %convert_element_type3A_27, %dot_general3A_382 {dimension_numbers = #tpu.dot_dimension_numbers<[1], [0], [0], [1], [0, 0, 1, 1], [], []>, transpose_lhs_hint = false} : vector<16x256xbf16>, vector<256x256xbf16>, vector<16x256xf32> -> vector<16x256xf32>
      %get3A_384 = arith.index_cast %add3A_380 : i32 to index
      %get3A_385 = arith.constant 0 : index
      %get3A_386 = arith.constant 0 : index
      %get3A_387 = vector.load %arg0[%get3A_384, %get3A_385, %get3A_386] : memref<512x16x256xf32, #tpu.memory_space<vmem>>, vector<1x16x256xf32>
      %get3A_388 = vector.shape_cast %get3A_387 : vector<1x16x256xf32> to vector<16x256xf32>
      %exp3A_389 = math.exp %get3A_388 : vector<16x256xf32>
      %mul3A_390 = arith.mulf %dot_general3A_383, %exp3A_389 : vector<16x256xf32>
      %sub3A_391 = arith.constant 1 : i32
      %sub3A_392 = vector.broadcast %sub3A_391 : i32 to vector<16x1xi32>
      %sub3A_393 = arith.subi %get3A_34, %sub3A_392 : vector<16x1xi32>
      %eq3A_394 = vector.broadcast %add3A_380 : i32 to vector<16x1xi32>
      %eq3A_395 = arith.cmpi eq, %eq3A_394, %sub3A_393 : vector<16x1xi32>
      %broadcast_in_dim3A_396 = vector.shape_cast %eq3A_395 : vector<16x1xi1> to vector<16x1xi1>
      %broadcast_in_dim3A_397 = vector.broadcast %broadcast_in_dim3A_396 : vector<16x1xi1> to vector<16x256xi1>
      %select_n3A_398 = arith.select %broadcast_in_dim3A_397, %mul3A_390, %select_n3A_375 : vector<16x256xi1>, vector<16x256xf32>
      %broadcast_in_dim3A_399 = vector.shape_cast %eq3A_395 : vector<16x1xi1> to vector<16x1xi1>
      %broadcast_in_dim3A_400 = vector.broadcast %broadcast_in_dim3A_399 : vector<16x1xi1> to vector<16x4xi1>
      %select_n3A_401 = arith.select %broadcast_in_dim3A_400, %scan3A_223, %select_n3A_378 : vector<16x4xi1>, vector<16x4xf32>
      %add3A_402 = arith.constant 7 : i32
      %add3A_403 = arith.addi %add3A_240, %add3A_402 : i32
      %convert_element_type3A_404 = arith.truncf %mul3A_390 : vector<16x256xf32> to vector<16x256xbf16>
      %dot_general3A_405 = arith.constant dense<0.000000e+00> : vector<16x256xf32>
      %dot_general3A_406 = tpu.matmul %convert_element_type3A_404, %convert_element_type3A_27, %dot_general3A_405 {dimension_numbers = #tpu.dot_dimension_numbers<[1], [0], [0], [1], [0, 0, 1, 1], [], []>, transpose_lhs_hint = false} : vector<16x256xbf16>, vector<256x256xbf16>, vector<16x256xf32> -> vector<16x256xf32>
      %get3A_407 = arith.index_cast %add3A_403 : i32 to index
      %get3A_408 = arith.constant 0 : index
      %get3A_409 = arith.constant 0 : index
      %get3A_410 = vector.load %arg0[%get3A_407, %get3A_408, %get3A_409] : memref<512x16x256xf32, #tpu.memory_space<vmem>>, vector<1x16x256xf32>
      %get3A_411 = vector.shape_cast %get3A_410 : vector<1x16x256xf32> to vector<16x256xf32>
      %exp3A_412 = math.exp %get3A_411 : vector<16x256xf32>
      %mul3A_413 = arith.mulf %dot_general3A_406, %exp3A_412 : vector<16x256xf32>
      %sub3A_414 = arith.constant 1 : i32
      %sub3A_415 = vector.broadcast %sub3A_414 : i32 to vector<16x1xi32>
      %sub3A_416 = arith.subi %get3A_34, %sub3A_415 : vector<16x1xi32>
      %eq3A_417 = vector.broadcast %add3A_403 : i32 to vector<16x1xi32>
      %eq3A_418 = arith.cmpi eq, %eq3A_417, %sub3A_416 : vector<16x1xi32>
      %broadcast_in_dim3A_419 = vector.shape_cast %eq3A_418 : vector<16x1xi1> to vector<16x1xi1>
      %broadcast_in_dim3A_420 = vector.broadcast %broadcast_in_dim3A_419 : vector<16x1xi1> to vector<16x256xi1>
      %select_n3A_421 = arith.select %broadcast_in_dim3A_420, %mul3A_413, %select_n3A_398 : vector<16x256xi1>, vector<16x256xf32>
      %broadcast_in_dim3A_422 = vector.shape_cast %eq3A_418 : vector<16x1xi1> to vector<16x1xi1>
      %broadcast_in_dim3A_423 = vector.broadcast %broadcast_in_dim3A_422 : vector<16x1xi1> to vector<16x4xi1>
      %select_n3A_424 = arith.select %broadcast_in_dim3A_423, %scan3A_223, %select_n3A_401 : vector<16x4xi1>, vector<16x4xf32>
      %mul3A_425 = arith.mulf %mul3A_413, %div3A_236 : vector<16x256xf32>
      %log3A_426 = math.log %dot_general3A_229 : vector<16x4xf32>
      %add3A_427 = arith.addf %scan3A_223, %log3A_426 : vector<16x4xf32>
      %scan3A_428 = arith.constant 1 : i32
      %scan3A_429 = arith.addi %scan3A_221, %scan3A_428 : i32
      %convert_element_type3A_430 = arith.truncf %mul3A_425 : vector<16x256xf32> to vector<16x256xbf16>
      %convert_element_type3A_431 = arith.truncf %transpose3A : vector<256x4xf32> to vector<256x4xbf16>
      %dot_general3A_432 = arith.constant dense<0.000000e+00> : vector<16x4xf32>
      %dot_general3A_433 = tpu.matmul %convert_element_type3A_430, %convert_element_type3A_431, %dot_general3A_432 {dimension_numbers = #tpu.dot_dimension_numbers<[1], [0], [0], [1], [0, 0, 1, 1], [], []>, transpose_lhs_hint = false} : vector<16x256xbf16>, vector<256x4xbf16>, vector<16x4xf32> -> vector<16x4xf32>
      %convert_element_type3A_434 = arith.truncf %dot_general3A_433 : vector<16x4xf32> to vector<16x4xbf16>
      %convert_element_type3A_435 = arith.truncf %convert_element_type3A_24 : vector<4x256xf32> to vector<4x256xbf16>
      %dot_general3A_436 = arith.constant dense<0.000000e+00> : vector<16x256xf32>
      %dot_general3A_437 = tpu.matmul %convert_element_type3A_434, %convert_element_type3A_435, %dot_general3A_436 {dimension_numbers = #tpu.dot_dimension_numbers<[1], [0], [0], [1], [0, 0, 1, 1], [], []>, transpose_lhs_hint = false} : vector<16x4xbf16>, vector<4x256xbf16>, vector<16x256xf32> -> vector<16x256xf32>
      %div3A_438 = arith.constant 1.000000e+00 : f32
      %div3A_439 = vector.broadcast %div3A_438 : f32 to vector<16x256xf32>
      %div3A_440 = arith.divf %div3A_439, %dot_general3A_437 : vector<16x256xf32>
      %mul3A_441 = arith.constant 8 : i32
      %mul3A_442 = arith.muli %scan3A_429, %mul3A_441 : i32
      %add3A_443 = arith.constant 1 : i32
      %add3A_444 = arith.addi %add3A_443, %mul3A_442 : i32
      %add3A_445 = arith.constant 0 : i32
      %add3A_446 = arith.addi %add3A_444, %add3A_445 : i32
      %convert_element_type3A_447 = arith.truncf %mul3A_425 : vector<16x256xf32> to vector<16x256xbf16>
      %dot_general3A_448 = arith.constant dense<0.000000e+00> : vector<16x256xf32>
      %dot_general3A_449 = tpu.matmul %convert_element_type3A_447, %convert_element_type3A_27, %dot_general3A_448 {dimension_numbers = #tpu.dot_dimension_numbers<[1], [0], [0], [1], [0, 0, 1, 1], [], []>, transpose_lhs_hint = false} : vector<16x256xbf16>, vector<256x256xbf16>, vector<16x256xf32> -> vector<16x256xf32>
      %get3A_450 = arith.index_cast %add3A_446 : i32 to index
      %get3A_451 = arith.constant 0 : index
      %get3A_452 = arith.constant 0 : index
      %get3A_453 = vector.load %arg0[%get3A_450, %get3A_451, %get3A_452] : memref<512x16x256xf32, #tpu.memory_space<vmem>>, vector<1x16x256xf32>
      %get3A_454 = vector.shape_cast %get3A_453 : vector<1x16x256xf32> to vector<16x256xf32>
      %exp3A_455 = math.exp %get3A_454 : vector<16x256xf32>
      %mul3A_456 = arith.mulf %dot_general3A_449, %exp3A_455 : vector<16x256xf32>
      %sub3A_457 = arith.constant 1 : i32
      %sub3A_458 = vector.broadcast %sub3A_457 : i32 to vector<16x1xi32>
      %sub3A_459 = arith.subi %get3A_34, %sub3A_458 : vector<16x1xi32>
      %eq3A_460 = vector.broadcast %add3A_446 : i32 to vector<16x1xi32>
      %eq3A_461 = arith.cmpi eq, %eq3A_460, %sub3A_459 : vector<16x1xi32>
      %broadcast_in_dim3A_462 = vector.shape_cast %eq3A_461 : vector<16x1xi1> to vector<16x1xi1>
      %broadcast_in_dim3A_463 = vector.broadcast %broadcast_in_dim3A_462 : vector<16x1xi1> to vector<16x256xi1>
      %select_n3A_464 = arith.select %broadcast_in_dim3A_463, %mul3A_456, %select_n3A_421 : vector<16x256xi1>, vector<16x256xf32>
      %broadcast_in_dim3A_465 = vector.shape_cast %eq3A_461 : vector<16x1xi1> to vector<16x1xi1>
      %broadcast_in_dim3A_466 = vector.broadcast %broadcast_in_dim3A_465 : vector<16x1xi1> to vector<16x4xi1>
      %select_n3A_467 = arith.select %broadcast_in_dim3A_466, %add3A_427, %select_n3A_424 : vector<16x4xi1>, vector<16x4xf32>
      %add3A_468 = arith.constant 1 : i32
      %add3A_469 = arith.addi %add3A_444, %add3A_468 : i32
      %convert_element_type3A_470 = arith.truncf %mul3A_456 : vector<16x256xf32> to vector<16x256xbf16>
      %dot_general3A_471 = arith.constant dense<0.000000e+00> : vector<16x256xf32>
      %dot_general3A_472 = tpu.matmul %convert_element_type3A_470, %convert_element_type3A_27, %dot_general3A_471 {dimension_numbers = #tpu.dot_dimension_numbers<[1], [0], [0], [1], [0, 0, 1, 1], [], []>, transpose_lhs_hint = false} : vector<16x256xbf16>, vector<256x256xbf16>, vector<16x256xf32> -> vector<16x256xf32>
      %get3A_473 = arith.index_cast %add3A_469 : i32 to index
      %get3A_474 = arith.constant 0 : index
      %get3A_475 = arith.constant 0 : index
      %get3A_476 = vector.load %arg0[%get3A_473, %get3A_474, %get3A_475] : memref<512x16x256xf32, #tpu.memory_space<vmem>>, vector<1x16x256xf32>
      %get3A_477 = vector.shape_cast %get3A_476 : vector<1x16x256xf32> to vector<16x256xf32>
      %exp3A_478 = math.exp %get3A_477 : vector<16x256xf32>
      %mul3A_479 = arith.mulf %dot_general3A_472, %exp3A_478 : vector<16x256xf32>
      %sub3A_480 = arith.constant 1 : i32
      %sub3A_481 = vector.broadcast %sub3A_480 : i32 to vector<16x1xi32>
      %sub3A_482 = arith.subi %get3A_34, %sub3A_481 : vector<16x1xi32>
      %eq3A_483 = vector.broadcast %add3A_469 : i32 to vector<16x1xi32>
      %eq3A_484 = arith.cmpi eq, %eq3A_483, %sub3A_482 : vector<16x1xi32>
      %broadcast_in_dim3A_485 = vector.shape_cast %eq3A_484 : vector<16x1xi1> to vector<16x1xi1>
      %broadcast_in_dim3A_486 = vector.broadcast %broadcast_in_dim3A_485 : vector<16x1xi1> to vector<16x256xi1>
      %select_n3A_487 = arith.select %broadcast_in_dim3A_486, %mul3A_479, %select_n3A_464 : vector<16x256xi1>, vector<16x256xf32>
      %broadcast_in_dim3A_488 = vector.shape_cast %eq3A_484 : vector<16x1xi1> to vector<16x1xi1>
      %broadcast_in_dim3A_489 = vector.broadcast %broadcast_in_dim3A_488 : vector<16x1xi1> to vector<16x4xi1>
      %select_n3A_490 = arith.select %broadcast_in_dim3A_489, %add3A_427, %select_n3A_467 : vector<16x4xi1>, vector<16x4xf32>
      %add3A_491 = arith.constant 2 : i32
      %add3A_492 = arith.addi %add3A_444, %add3A_491 : i32
      %convert_element_type3A_493 = arith.truncf %mul3A_479 : vector<16x256xf32> to vector<16x256xbf16>
      %dot_general3A_494 = arith.constant dense<0.000000e+00> : vector<16x256xf32>
      %dot_general3A_495 = tpu.matmul %convert_element_type3A_493, %convert_element_type3A_27, %dot_general3A_494 {dimension_numbers = #tpu.dot_dimension_numbers<[1], [0], [0], [1], [0, 0, 1, 1], [], []>, transpose_lhs_hint = false} : vector<16x256xbf16>, vector<256x256xbf16>, vector<16x256xf32> -> vector<16x256xf32>
      %get3A_496 = arith.index_cast %add3A_492 : i32 to index
      %get3A_497 = arith.constant 0 : index
      %get3A_498 = arith.constant 0 : index
      %get3A_499 = vector.load %arg0[%get3A_496, %get3A_497, %get3A_498] : memref<512x16x256xf32, #tpu.memory_space<vmem>>, vector<1x16x256xf32>
      %get3A_500 = vector.shape_cast %get3A_499 : vector<1x16x256xf32> to vector<16x256xf32>
      %exp3A_501 = math.exp %get3A_500 : vector<16x256xf32>
      %mul3A_502 = arith.mulf %dot_general3A_495, %exp3A_501 : vector<16x256xf32>
      %sub3A_503 = arith.constant 1 : i32
      %sub3A_504 = vector.broadcast %sub3A_503 : i32 to vector<16x1xi32>
      %sub3A_505 = arith.subi %get3A_34, %sub3A_504 : vector<16x1xi32>
      %eq3A_506 = vector.broadcast %add3A_492 : i32 to vector<16x1xi32>
      %eq3A_507 = arith.cmpi eq, %eq3A_506, %sub3A_505 : vector<16x1xi32>
      %broadcast_in_dim3A_508 = vector.shape_cast %eq3A_507 : vector<16x1xi1> to vector<16x1xi1>
      %broadcast_in_dim3A_509 = vector.broadcast %broadcast_in_dim3A_508 : vector<16x1xi1> to vector<16x256xi1>
      %select_n3A_510 = arith.select %broadcast_in_dim3A_509, %mul3A_502, %select_n3A_487 : vector<16x256xi1>, vector<16x256xf32>
      %broadcast_in_dim3A_511 = vector.shape_cast %eq3A_507 : vector<16x1xi1> to vector<16x1xi1>
      %broadcast_in_dim3A_512 = vector.broadcast %broadcast_in_dim3A_511 : vector<16x1xi1> to vector<16x4xi1>
      %select_n3A_513 = arith.select %broadcast_in_dim3A_512, %add3A_427, %select_n3A_490 : vector<16x4xi1>, vector<16x4xf32>
      %add3A_514 = arith.constant 3 : i32
      %add3A_515 = arith.addi %add3A_444, %add3A_514 : i32
      %convert_element_type3A_516 = arith.truncf %mul3A_502 : vector<16x256xf32> to vector<16x256xbf16>
      %dot_general3A_517 = arith.constant dense<0.000000e+00> : vector<16x256xf32>
      %dot_general3A_518 = tpu.matmul %convert_element_type3A_516, %convert_element_type3A_27, %dot_general3A_517 {dimension_numbers = #tpu.dot_dimension_numbers<[1], [0], [0], [1], [0, 0, 1, 1], [], []>, transpose_lhs_hint = false} : vector<16x256xbf16>, vector<256x256xbf16>, vector<16x256xf32> -> vector<16x256xf32>
      %get3A_519 = arith.index_cast %add3A_515 : i32 to index
      %get3A_520 = arith.constant 0 : index
      %get3A_521 = arith.constant 0 : index
      %get3A_522 = vector.load %arg0[%get3A_519, %get3A_520, %get3A_521] : memref<512x16x256xf32, #tpu.memory_space<vmem>>, vector<1x16x256xf32>
      %get3A_523 = vector.shape_cast %get3A_522 : vector<1x16x256xf32> to vector<16x256xf32>
      %exp3A_524 = math.exp %get3A_523 : vector<16x256xf32>
      %mul3A_525 = arith.mulf %dot_general3A_518, %exp3A_524 : vector<16x256xf32>
      %sub3A_526 = arith.constant 1 : i32
      %sub3A_527 = vector.broadcast %sub3A_526 : i32 to vector<16x1xi32>
      %sub3A_528 = arith.subi %get3A_34, %sub3A_527 : vector<16x1xi32>
      %eq3A_529 = vector.broadcast %add3A_515 : i32 to vector<16x1xi32>
      %eq3A_530 = arith.cmpi eq, %eq3A_529, %sub3A_528 : vector<16x1xi32>
      %broadcast_in_dim3A_531 = vector.shape_cast %eq3A_530 : vector<16x1xi1> to vector<16x1xi1>
      %broadcast_in_dim3A_532 = vector.broadcast %broadcast_in_dim3A_531 : vector<16x1xi1> to vector<16x256xi1>
      %select_n3A_533 = arith.select %broadcast_in_dim3A_532, %mul3A_525, %select_n3A_510 : vector<16x256xi1>, vector<16x256xf32>
      %broadcast_in_dim3A_534 = vector.shape_cast %eq3A_530 : vector<16x1xi1> to vector<16x1xi1>
      %broadcast_in_dim3A_535 = vector.broadcast %broadcast_in_dim3A_534 : vector<16x1xi1> to vector<16x4xi1>
      %select_n3A_536 = arith.select %broadcast_in_dim3A_535, %add3A_427, %select_n3A_513 : vector<16x4xi1>, vector<16x4xf32>
      %add3A_537 = arith.constant 4 : i32
      %add3A_538 = arith.addi %add3A_444, %add3A_537 : i32
      %convert_element_type3A_539 = arith.truncf %mul3A_525 : vector<16x256xf32> to vector<16x256xbf16>
      %dot_general3A_540 = arith.constant dense<0.000000e+00> : vector<16x256xf32>
      %dot_general3A_541 = tpu.matmul %convert_element_type3A_539, %convert_element_type3A_27, %dot_general3A_540 {dimension_numbers = #tpu.dot_dimension_numbers<[1], [0], [0], [1], [0, 0, 1, 1], [], []>, transpose_lhs_hint = false} : vector<16x256xbf16>, vector<256x256xbf16>, vector<16x256xf32> -> vector<16x256xf32>
      %get3A_542 = arith.index_cast %add3A_538 : i32 to index
      %get3A_543 = arith.constant 0 : index
      %get3A_544 = arith.constant 0 : index
      %get3A_545 = vector.load %arg0[%get3A_542, %get3A_543, %get3A_544] : memref<512x16x256xf32, #tpu.memory_space<vmem>>, vector<1x16x256xf32>
      %get3A_546 = vector.shape_cast %get3A_545 : vector<1x16x256xf32> to vector<16x256xf32>
      %exp3A_547 = math.exp %get3A_546 : vector<16x256xf32>
      %mul3A_548 = arith.mulf %dot_general3A_541, %exp3A_547 : vector<16x256xf32>
      %sub3A_549 = arith.constant 1 : i32
      %sub3A_550 = vector.broadcast %sub3A_549 : i32 to vector<16x1xi32>
      %sub3A_551 = arith.subi %get3A_34, %sub3A_550 : vector<16x1xi32>
      %eq3A_552 = vector.broadcast %add3A_538 : i32 to vector<16x1xi32>
      %eq3A_553 = arith.cmpi eq, %eq3A_552, %sub3A_551 : vector<16x1xi32>
      %broadcast_in_dim3A_554 = vector.shape_cast %eq3A_553 : vector<16x1xi1> to vector<16x1xi1>
      %broadcast_in_dim3A_555 = vector.broadcast %broadcast_in_dim3A_554 : vector<16x1xi1> to vector<16x256xi1>
      %select_n3A_556 = arith.select %broadcast_in_dim3A_555, %mul3A_548, %select_n3A_533 : vector<16x256xi1>, vector<16x256xf32>
      %broadcast_in_dim3A_557 = vector.shape_cast %eq3A_553 : vector<16x1xi1> to vector<16x1xi1>
      %broadcast_in_dim3A_558 = vector.broadcast %broadcast_in_dim3A_557 : vector<16x1xi1> to vector<16x4xi1>
      %select_n3A_559 = arith.select %broadcast_in_dim3A_558, %add3A_427, %select_n3A_536 : vector<16x4xi1>, vector<16x4xf32>
      %add3A_560 = arith.constant 5 : i32
      %add3A_561 = arith.addi %add3A_444, %add3A_560 : i32
      %convert_element_type3A_562 = arith.truncf %mul3A_548 : vector<16x256xf32> to vector<16x256xbf16>
      %dot_general3A_563 = arith.constant dense<0.000000e+00> : vector<16x256xf32>
      %dot_general3A_564 = tpu.matmul %convert_element_type3A_562, %convert_element_type3A_27, %dot_general3A_563 {dimension_numbers = #tpu.dot_dimension_numbers<[1], [0], [0], [1], [0, 0, 1, 1], [], []>, transpose_lhs_hint = false} : vector<16x256xbf16>, vector<256x256xbf16>, vector<16x256xf32> -> vector<16x256xf32>
      %get3A_565 = arith.index_cast %add3A_561 : i32 to index
      %get3A_566 = arith.constant 0 : index
      %get3A_567 = arith.constant 0 : index
      %get3A_568 = vector.load %arg0[%get3A_565, %get3A_566, %get3A_567] : memref<512x16x256xf32, #tpu.memory_space<vmem>>, vector<1x16x256xf32>
      %get3A_569 = vector.shape_cast %get3A_568 : vector<1x16x256xf32> to vector<16x256xf32>
      %exp3A_570 = math.exp %get3A_569 : vector<16x256xf32>
      %mul3A_571 = arith.mulf %dot_general3A_564, %exp3A_570 : vector<16x256xf32>
      %sub3A_572 = arith.constant 1 : i32
      %sub3A_573 = vector.broadcast %sub3A_572 : i32 to vector<16x1xi32>
      %sub3A_574 = arith.subi %get3A_34, %sub3A_573 : vector<16x1xi32>
      %eq3A_575 = vector.broadcast %add3A_561 : i32 to vector<16x1xi32>
      %eq3A_576 = arith.cmpi eq, %eq3A_575, %sub3A_574 : vector<16x1xi32>
      %broadcast_in_dim3A_577 = vector.shape_cast %eq3A_576 : vector<16x1xi1> to vector<16x1xi1>
      %broadcast_in_dim3A_578 = vector.broadcast %broadcast_in_dim3A_577 : vector<16x1xi1> to vector<16x256xi1>
      %select_n3A_579 = arith.select %broadcast_in_dim3A_578, %mul3A_571, %select_n3A_556 : vector<16x256xi1>, vector<16x256xf32>
      %broadcast_in_dim3A_580 = vector.shape_cast %eq3A_576 : vector<16x1xi1> to vector<16x1xi1>
      %broadcast_in_dim3A_581 = vector.broadcast %broadcast_in_dim3A_580 : vector<16x1xi1> to vector<16x4xi1>
      %select_n3A_582 = arith.select %broadcast_in_dim3A_581, %add3A_427, %select_n3A_559 : vector<16x4xi1>, vector<16x4xf32>
      %add3A_583 = arith.constant 6 : i32
      %add3A_584 = arith.addi %add3A_444, %add3A_583 : i32
      %convert_element_type3A_585 = arith.truncf %mul3A_571 : vector<16x256xf32> to vector<16x256xbf16>
      %dot_general3A_586 = arith.constant dense<0.000000e+00> : vector<16x256xf32>
      %dot_general3A_587 = tpu.matmul %convert_element_type3A_585, %convert_element_type3A_27, %dot_general3A_586 {dimension_numbers = #tpu.dot_dimension_numbers<[1], [0], [0], [1], [0, 0, 1, 1], [], []>, transpose_lhs_hint = false} : vector<16x256xbf16>, vector<256x256xbf16>, vector<16x256xf32> -> vector<16x256xf32>
      %get3A_588 = arith.index_cast %add3A_584 : i32 to index
      %get3A_589 = arith.constant 0 : index
      %get3A_590 = arith.constant 0 : index
      %get3A_591 = vector.load %arg0[%get3A_588, %get3A_589, %get3A_590] : memref<512x16x256xf32, #tpu.memory_space<vmem>>, vector<1x16x256xf32>
      %get3A_592 = vector.shape_cast %get3A_591 : vector<1x16x256xf32> to vector<16x256xf32>
      %exp3A_593 = math.exp %get3A_592 : vector<16x256xf32>
      %mul3A_594 = arith.mulf %dot_general3A_587, %exp3A_593 : vector<16x256xf32>
      %sub3A_595 = arith.constant 1 : i32
      %sub3A_596 = vector.broadcast %sub3A_595 : i32 to vector<16x1xi32>
      %sub3A_597 = arith.subi %get3A_34, %sub3A_596 : vector<16x1xi32>
      %eq3A_598 = vector.broadcast %add3A_584 : i32 to vector<16x1xi32>
      %eq3A_599 = arith.cmpi eq, %eq3A_598, %sub3A_597 : vector<16x1xi32>
      %broadcast_in_dim3A_600 = vector.shape_cast %eq3A_599 : vector<16x1xi1> to vector<16x1xi1>
      %broadcast_in_dim3A_601 = vector.broadcast %broadcast_in_dim3A_600 : vector<16x1xi1> to vector<16x256xi1>
      %select_n3A_602 = arith.select %broadcast_in_dim3A_601, %mul3A_594, %select_n3A_579 : vector<16x256xi1>, vector<16x256xf32>
      %broadcast_in_dim3A_603 = vector.shape_cast %eq3A_599 : vector<16x1xi1> to vector<16x1xi1>
      %broadcast_in_dim3A_604 = vector.broadcast %broadcast_in_dim3A_603 : vector<16x1xi1> to vector<16x4xi1>
      %select_n3A_605 = arith.select %broadcast_in_dim3A_604, %add3A_427, %select_n3A_582 : vector<16x4xi1>, vector<16x4xf32>
      %add3A_606 = arith.constant 7 : i32
      %add3A_607 = arith.addi %add3A_444, %add3A_606 : i32
      %convert_element_type3A_608 = arith.truncf %mul3A_594 : vector<16x256xf32> to vector<16x256xbf16>
      %dot_general3A_609 = arith.constant dense<0.000000e+00> : vector<16x256xf32>
      %dot_general3A_610 = tpu.matmul %convert_element_type3A_608, %convert_element_type3A_27, %dot_general3A_609 {dimension_numbers = #tpu.dot_dimension_numbers<[1], [0], [0], [1], [0, 0, 1, 1], [], []>, transpose_lhs_hint = false} : vector<16x256xbf16>, vector<256x256xbf16>, vector<16x256xf32> -> vector<16x256xf32>
      %get3A_611 = arith.index_cast %add3A_607 : i32 to index
      %get3A_612 = arith.constant 0 : index
      %get3A_613 = arith.constant 0 : index
      %get3A_614 = vector.load %arg0[%get3A_611, %get3A_612, %get3A_613] : memref<512x16x256xf32, #tpu.memory_space<vmem>>, vector<1x16x256xf32>
      %get3A_615 = vector.shape_cast %get3A_614 : vector<1x16x256xf32> to vector<16x256xf32>
      %exp3A_616 = math.exp %get3A_615 : vector<16x256xf32>
      %mul3A_617 = arith.mulf %dot_general3A_610, %exp3A_616 : vector<16x256xf32>
      %sub3A_618 = arith.constant 1 : i32
      %sub3A_619 = vector.broadcast %sub3A_618 : i32 to vector<16x1xi32>
      %sub3A_620 = arith.subi %get3A_34, %sub3A_619 : vector<16x1xi32>
      %eq3A_621 = vector.broadcast %add3A_607 : i32 to vector<16x1xi32>
      %eq3A_622 = arith.cmpi eq, %eq3A_621, %sub3A_620 : vector<16x1xi32>
      %broadcast_in_dim3A_623 = vector.shape_cast %eq3A_622 : vector<16x1xi1> to vector<16x1xi1>
      %broadcast_in_dim3A_624 = vector.broadcast %broadcast_in_dim3A_623 : vector<16x1xi1> to vector<16x256xi1>
      %select_n3A_625 = arith.select %broadcast_in_dim3A_624, %mul3A_617, %select_n3A_602 : vector<16x256xi1>, vector<16x256xf32>
      %broadcast_in_dim3A_626 = vector.shape_cast %eq3A_622 : vector<16x1xi1> to vector<16x1xi1>
      %broadcast_in_dim3A_627 = vector.broadcast %broadcast_in_dim3A_626 : vector<16x1xi1> to vector<16x4xi1>
      %select_n3A_628 = arith.select %broadcast_in_dim3A_627, %add3A_427, %select_n3A_605 : vector<16x4xi1>, vector<16x4xf32>
      %mul3A_629 = arith.mulf %mul3A_617, %div3A_440 : vector<16x256xf32>
      %log3A_630 = math.log %dot_general3A_433 : vector<16x4xf32>
      %add3A_631 = arith.addf %add3A_427, %log3A_630 : vector<16x4xf32>
      %scan3A_632 = arith.constant 2 : i32
      %scan3A_633 = arith.addi %scan3A_221, %scan3A_632 : i32
      %convert_element_type3A_634 = arith.truncf %mul3A_629 : vector<16x256xf32> to vector<16x256xbf16>
      %convert_element_type3A_635 = arith.truncf %transpose3A : vector<256x4xf32> to vector<256x4xbf16>
      %dot_general3A_636 = arith.constant dense<0.000000e+00> : vector<16x4xf32>
      %dot_general3A_637 = tpu.matmul %convert_element_type3A_634, %convert_element_type3A_635, %dot_general3A_636 {dimension_numbers = #tpu.dot_dimension_numbers<[1], [0], [0], [1], [0, 0, 1, 1], [], []>, transpose_lhs_hint = false} : vector<16x256xbf16>, vector<256x4xbf16>, vector<16x4xf32> -> vector<16x4xf32>
      %convert_element_type3A_638 = arith.truncf %dot_general3A_637 : vector<16x4xf32> to vector<16x4xbf16>
      %convert_element_type3A_639 = arith.truncf %convert_element_type3A_24 : vector<4x256xf32> to vector<4x256xbf16>
      %dot_general3A_640 = arith.constant dense<0.000000e+00> : vector<16x256xf32>
      %dot_general3A_641 = tpu.matmul %convert_element_type3A_638, %convert_element_type3A_639, %dot_general3A_640 {dimension_numbers = #tpu.dot_dimension_numbers<[1], [0], [0], [1], [0, 0, 1, 1], [], []>, transpose_lhs_hint = false} : vector<16x4xbf16>, vector<4x256xbf16>, vector<16x256xf32> -> vector<16x256xf32>
      %div3A_642 = arith.constant 1.000000e+00 : f32
      %div3A_643 = vector.broadcast %div3A_642 : f32 to vector<16x256xf32>
      %div3A_644 = arith.divf %div3A_643, %dot_general3A_641 : vector<16x256xf32>
      %mul3A_645 = arith.constant 8 : i32
      %mul3A_646 = arith.muli %scan3A_633, %mul3A_645 : i32
      %add3A_647 = arith.constant 1 : i32
      %add3A_648 = arith.addi %add3A_647, %mul3A_646 : i32
      %add3A_649 = arith.constant 0 : i32
      %add3A_650 = arith.addi %add3A_648, %add3A_649 : i32
      %convert_element_type3A_651 = arith.truncf %mul3A_629 : vector<16x256xf32> to vector<16x256xbf16>
      %dot_general3A_652 = arith.constant dense<0.000000e+00> : vector<16x256xf32>
      %dot_general3A_653 = tpu.matmul %convert_element_type3A_651, %convert_element_type3A_27, %dot_general3A_652 {dimension_numbers = #tpu.dot_dimension_numbers<[1], [0], [0], [1], [0, 0, 1, 1], [], []>, transpose_lhs_hint = false} : vector<16x256xbf16>, vector<256x256xbf16>, vector<16x256xf32> -> vector<16x256xf32>
      %get3A_654 = arith.index_cast %add3A_650 : i32 to index
      %get3A_655 = arith.constant 0 : index
      %get3A_656 = arith.constant 0 : index
      %get3A_657 = vector.load %arg0[%get3A_654, %get3A_655, %get3A_656] : memref<512x16x256xf32, #tpu.memory_space<vmem>>, vector<1x16x256xf32>
      %get3A_658 = vector.shape_cast %get3A_657 : vector<1x16x256xf32> to vector<16x256xf32>
      %exp3A_659 = math.exp %get3A_658 : vector<16x256xf32>
      %mul3A_660 = arith.mulf %dot_general3A_653, %exp3A_659 : vector<16x256xf32>
      %sub3A_661 = arith.constant 1 : i32
      %sub3A_662 = vector.broadcast %sub3A_661 : i32 to vector<16x1xi32>
      %sub3A_663 = arith.subi %get3A_34, %sub3A_662 : vector<16x1xi32>
      %eq3A_664 = vector.broadcast %add3A_650 : i32 to vector<16x1xi32>
      %eq3A_665 = arith.cmpi eq, %eq3A_664, %sub3A_663 : vector<16x1xi32>
      %broadcast_in_dim3A_666 = vector.shape_cast %eq3A_665 : vector<16x1xi1> to vector<16x1xi1>
      %broadcast_in_dim3A_667 = vector.broadcast %broadcast_in_dim3A_666 : vector<16x1xi1> to vector<16x256xi1>
      %select_n3A_668 = arith.select %broadcast_in_dim3A_667, %mul3A_660, %select_n3A_625 : vector<16x256xi1>, vector<16x256xf32>
      %broadcast_in_dim3A_669 = vector.shape_cast %eq3A_665 : vector<16x1xi1> to vector<16x1xi1>
      %broadcast_in_dim3A_670 = vector.broadcast %broadcast_in_dim3A_669 : vector<16x1xi1> to vector<16x4xi1>
      %select_n3A_671 = arith.select %broadcast_in_dim3A_670, %add3A_631, %select_n3A_628 : vector<16x4xi1>, vector<16x4xf32>
      %add3A_672 = arith.constant 1 : i32
      %add3A_673 = arith.addi %add3A_648, %add3A_672 : i32
      %convert_element_type3A_674 = arith.truncf %mul3A_660 : vector<16x256xf32> to vector<16x256xbf16>
      %dot_general3A_675 = arith.constant dense<0.000000e+00> : vector<16x256xf32>
      %dot_general3A_676 = tpu.matmul %convert_element_type3A_674, %convert_element_type3A_27, %dot_general3A_675 {dimension_numbers = #tpu.dot_dimension_numbers<[1], [0], [0], [1], [0, 0, 1, 1], [], []>, transpose_lhs_hint = false} : vector<16x256xbf16>, vector<256x256xbf16>, vector<16x256xf32> -> vector<16x256xf32>
      %get3A_677 = arith.index_cast %add3A_673 : i32 to index
      %get3A_678 = arith.constant 0 : index
      %get3A_679 = arith.constant 0 : index
      %get3A_680 = vector.load %arg0[%get3A_677, %get3A_678, %get3A_679] : memref<512x16x256xf32, #tpu.memory_space<vmem>>, vector<1x16x256xf32>
      %get3A_681 = vector.shape_cast %get3A_680 : vector<1x16x256xf32> to vector<16x256xf32>
      %exp3A_682 = math.exp %get3A_681 : vector<16x256xf32>
      %mul3A_683 = arith.mulf %dot_general3A_676, %exp3A_682 : vector<16x256xf32>
      %sub3A_684 = arith.constant 1 : i32
      %sub3A_685 = vector.broadcast %sub3A_684 : i32 to vector<16x1xi32>
      %sub3A_686 = arith.subi %get3A_34, %sub3A_685 : vector<16x1xi32>
      %eq3A_687 = vector.broadcast %add3A_673 : i32 to vector<16x1xi32>
      %eq3A_688 = arith.cmpi eq, %eq3A_687, %sub3A_686 : vector<16x1xi32>
      %broadcast_in_dim3A_689 = vector.shape_cast %eq3A_688 : vector<16x1xi1> to vector<16x1xi1>
      %broadcast_in_dim3A_690 = vector.broadcast %broadcast_in_dim3A_689 : vector<16x1xi1> to vector<16x256xi1>
      %select_n3A_691 = arith.select %broadcast_in_dim3A_690, %mul3A_683, %select_n3A_668 : vector<16x256xi1>, vector<16x256xf32>
      %broadcast_in_dim3A_692 = vector.shape_cast %eq3A_688 : vector<16x1xi1> to vector<16x1xi1>
      %broadcast_in_dim3A_693 = vector.broadcast %broadcast_in_dim3A_692 : vector<16x1xi1> to vector<16x4xi1>
      %select_n3A_694 = arith.select %broadcast_in_dim3A_693, %add3A_631, %select_n3A_671 : vector<16x4xi1>, vector<16x4xf32>
      %add3A_695 = arith.constant 2 : i32
      %add3A_696 = arith.addi %add3A_648, %add3A_695 : i32
      %convert_element_type3A_697 = arith.truncf %mul3A_683 : vector<16x256xf32> to vector<16x256xbf16>
      %dot_general3A_698 = arith.constant dense<0.000000e+00> : vector<16x256xf32>
      %dot_general3A_699 = tpu.matmul %convert_element_type3A_697, %convert_element_type3A_27, %dot_general3A_698 {dimension_numbers = #tpu.dot_dimension_numbers<[1], [0], [0], [1], [0, 0, 1, 1], [], []>, transpose_lhs_hint = false} : vector<16x256xbf16>, vector<256x256xbf16>, vector<16x256xf32> -> vector<16x256xf32>
      %get3A_700 = arith.index_cast %add3A_696 : i32 to index
      %get3A_701 = arith.constant 0 : index
      %get3A_702 = arith.constant 0 : index
      %get3A_703 = vector.load %arg0[%get3A_700, %get3A_701, %get3A_702] : memref<512x16x256xf32, #tpu.memory_space<vmem>>, vector<1x16x256xf32>
      %get3A_704 = vector.shape_cast %get3A_703 : vector<1x16x256xf32> to vector<16x256xf32>
      %exp3A_705 = math.exp %get3A_704 : vector<16x256xf32>
      %mul3A_706 = arith.mulf %dot_general3A_699, %exp3A_705 : vector<16x256xf32>
      %sub3A_707 = arith.constant 1 : i32
      %sub3A_708 = vector.broadcast %sub3A_707 : i32 to vector<16x1xi32>
      %sub3A_709 = arith.subi %get3A_34, %sub3A_708 : vector<16x1xi32>
      %eq3A_710 = vector.broadcast %add3A_696 : i32 to vector<16x1xi32>
      %eq3A_711 = arith.cmpi eq, %eq3A_710, %sub3A_709 : vector<16x1xi32>
      %broadcast_in_dim3A_712 = vector.shape_cast %eq3A_711 : vector<16x1xi1> to vector<16x1xi1>
      %broadcast_in_dim3A_713 = vector.broadcast %broadcast_in_dim3A_712 : vector<16x1xi1> to vector<16x256xi1>
      %select_n3A_714 = arith.select %broadcast_in_dim3A_713, %mul3A_706, %select_n3A_691 : vector<16x256xi1>, vector<16x256xf32>
      %broadcast_in_dim3A_715 = vector.shape_cast %eq3A_711 : vector<16x1xi1> to vector<16x1xi1>
      %broadcast_in_dim3A_716 = vector.broadcast %broadcast_in_dim3A_715 : vector<16x1xi1> to vector<16x4xi1>
      %select_n3A_717 = arith.select %broadcast_in_dim3A_716, %add3A_631, %select_n3A_694 : vector<16x4xi1>, vector<16x4xf32>
      %add3A_718 = arith.constant 3 : i32
      %add3A_719 = arith.addi %add3A_648, %add3A_718 : i32
      %convert_element_type3A_720 = arith.truncf %mul3A_706 : vector<16x256xf32> to vector<16x256xbf16>
      %dot_general3A_721 = arith.constant dense<0.000000e+00> : vector<16x256xf32>
      %dot_general3A_722 = tpu.matmul %convert_element_type3A_720, %convert_element_type3A_27, %dot_general3A_721 {dimension_numbers = #tpu.dot_dimension_numbers<[1], [0], [0], [1], [0, 0, 1, 1], [], []>, transpose_lhs_hint = false} : vector<16x256xbf16>, vector<256x256xbf16>, vector<16x256xf32> -> vector<16x256xf32>
      %get3A_723 = arith.index_cast %add3A_719 : i32 to index
      %get3A_724 = arith.constant 0 : index
      %get3A_725 = arith.constant 0 : index
      %get3A_726 = vector.load %arg0[%get3A_723, %get3A_724, %get3A_725] : memref<512x16x256xf32, #tpu.memory_space<vmem>>, vector<1x16x256xf32>
      %get3A_727 = vector.shape_cast %get3A_726 : vector<1x16x256xf32> to vector<16x256xf32>
      %exp3A_728 = math.exp %get3A_727 : vector<16x256xf32>
      %mul3A_729 = arith.mulf %dot_general3A_722, %exp3A_728 : vector<16x256xf32>
      %sub3A_730 = arith.constant 1 : i32
      %sub3A_731 = vector.broadcast %sub3A_730 : i32 to vector<16x1xi32>
      %sub3A_732 = arith.subi %get3A_34, %sub3A_731 : vector<16x1xi32>
      %eq3A_733 = vector.broadcast %add3A_719 : i32 to vector<16x1xi32>
      %eq3A_734 = arith.cmpi eq, %eq3A_733, %sub3A_732 : vector<16x1xi32>
      %broadcast_in_dim3A_735 = vector.shape_cast %eq3A_734 : vector<16x1xi1> to vector<16x1xi1>
      %broadcast_in_dim3A_736 = vector.broadcast %broadcast_in_dim3A_735 : vector<16x1xi1> to vector<16x256xi1>
      %select_n3A_737 = arith.select %broadcast_in_dim3A_736, %mul3A_729, %select_n3A_714 : vector<16x256xi1>, vector<16x256xf32>
      %broadcast_in_dim3A_738 = vector.shape_cast %eq3A_734 : vector<16x1xi1> to vector<16x1xi1>
      %broadcast_in_dim3A_739 = vector.broadcast %broadcast_in_dim3A_738 : vector<16x1xi1> to vector<16x4xi1>
      %select_n3A_740 = arith.select %broadcast_in_dim3A_739, %add3A_631, %select_n3A_717 : vector<16x4xi1>, vector<16x4xf32>
      %add3A_741 = arith.constant 4 : i32
      %add3A_742 = arith.addi %add3A_648, %add3A_741 : i32
      %convert_element_type3A_743 = arith.truncf %mul3A_729 : vector<16x256xf32> to vector<16x256xbf16>
      %dot_general3A_744 = arith.constant dense<0.000000e+00> : vector<16x256xf32>
      %dot_general3A_745 = tpu.matmul %convert_element_type3A_743, %convert_element_type3A_27, %dot_general3A_744 {dimension_numbers = #tpu.dot_dimension_numbers<[1], [0], [0], [1], [0, 0, 1, 1], [], []>, transpose_lhs_hint = false} : vector<16x256xbf16>, vector<256x256xbf16>, vector<16x256xf32> -> vector<16x256xf32>
      %get3A_746 = arith.index_cast %add3A_742 : i32 to index
      %get3A_747 = arith.constant 0 : index
      %get3A_748 = arith.constant 0 : index
      %get3A_749 = vector.load %arg0[%get3A_746, %get3A_747, %get3A_748] : memref<512x16x256xf32, #tpu.memory_space<vmem>>, vector<1x16x256xf32>
      %get3A_750 = vector.shape_cast %get3A_749 : vector<1x16x256xf32> to vector<16x256xf32>
      %exp3A_751 = math.exp %get3A_750 : vector<16x256xf32>
      %mul3A_752 = arith.mulf %dot_general3A_745, %exp3A_751 : vector<16x256xf32>
      %sub3A_753 = arith.constant 1 : i32
      %sub3A_754 = vector.broadcast %sub3A_753 : i32 to vector<16x1xi32>
      %sub3A_755 = arith.subi %get3A_34, %sub3A_754 : vector<16x1xi32>
      %eq3A_756 = vector.broadcast %add3A_742 : i32 to vector<16x1xi32>
      %eq3A_757 = arith.cmpi eq, %eq3A_756, %sub3A_755 : vector<16x1xi32>
      %broadcast_in_dim3A_758 = vector.shape_cast %eq3A_757 : vector<16x1xi1> to vector<16x1xi1>
      %broadcast_in_dim3A_759 = vector.broadcast %broadcast_in_dim3A_758 : vector<16x1xi1> to vector<16x256xi1>
      %select_n3A_760 = arith.select %broadcast_in_dim3A_759, %mul3A_752, %select_n3A_737 : vector<16x256xi1>, vector<16x256xf32>
      %broadcast_in_dim3A_761 = vector.shape_cast %eq3A_757 : vector<16x1xi1> to vector<16x1xi1>
      %broadcast_in_dim3A_762 = vector.broadcast %broadcast_in_dim3A_761 : vector<16x1xi1> to vector<16x4xi1>
      %select_n3A_763 = arith.select %broadcast_in_dim3A_762, %add3A_631, %select_n3A_740 : vector<16x4xi1>, vector<16x4xf32>
      %add3A_764 = arith.constant 5 : i32
      %add3A_765 = arith.addi %add3A_648, %add3A_764 : i32
      %convert_element_type3A_766 = arith.truncf %mul3A_752 : vector<16x256xf32> to vector<16x256xbf16>
      %dot_general3A_767 = arith.constant dense<0.000000e+00> : vector<16x256xf32>
      %dot_general3A_768 = tpu.matmul %convert_element_type3A_766, %convert_element_type3A_27, %dot_general3A_767 {dimension_numbers = #tpu.dot_dimension_numbers<[1], [0], [0], [1], [0, 0, 1, 1], [], []>, transpose_lhs_hint = false} : vector<16x256xbf16>, vector<256x256xbf16>, vector<16x256xf32> -> vector<16x256xf32>
      %get3A_769 = arith.index_cast %add3A_765 : i32 to index
      %get3A_770 = arith.constant 0 : index
      %get3A_771 = arith.constant 0 : index
      %get3A_772 = vector.load %arg0[%get3A_769, %get3A_770, %get3A_771] : memref<512x16x256xf32, #tpu.memory_space<vmem>>, vector<1x16x256xf32>
      %get3A_773 = vector.shape_cast %get3A_772 : vector<1x16x256xf32> to vector<16x256xf32>
      %exp3A_774 = math.exp %get3A_773 : vector<16x256xf32>
      %mul3A_775 = arith.mulf %dot_general3A_768, %exp3A_774 : vector<16x256xf32>
      %sub3A_776 = arith.constant 1 : i32
      %sub3A_777 = vector.broadcast %sub3A_776 : i32 to vector<16x1xi32>
      %sub3A_778 = arith.subi %get3A_34, %sub3A_777 : vector<16x1xi32>
      %eq3A_779 = vector.broadcast %add3A_765 : i32 to vector<16x1xi32>
      %eq3A_780 = arith.cmpi eq, %eq3A_779, %sub3A_778 : vector<16x1xi32>
      %broadcast_in_dim3A_781 = vector.shape_cast %eq3A_780 : vector<16x1xi1> to vector<16x1xi1>
      %broadcast_in_dim3A_782 = vector.broadcast %broadcast_in_dim3A_781 : vector<16x1xi1> to vector<16x256xi1>
      %select_n3A_783 = arith.select %broadcast_in_dim3A_782, %mul3A_775, %select_n3A_760 : vector<16x256xi1>, vector<16x256xf32>
      %broadcast_in_dim3A_784 = vector.shape_cast %eq3A_780 : vector<16x1xi1> to vector<16x1xi1>
      %broadcast_in_dim3A_785 = vector.broadcast %broadcast_in_dim3A_784 : vector<16x1xi1> to vector<16x4xi1>
      %select_n3A_786 = arith.select %broadcast_in_dim3A_785, %add3A_631, %select_n3A_763 : vector<16x4xi1>, vector<16x4xf32>
      %add3A_787 = arith.constant 6 : i32
      %add3A_788 = arith.addi %add3A_648, %add3A_787 : i32
      %convert_element_type3A_789 = arith.truncf %mul3A_775 : vector<16x256xf32> to vector<16x256xbf16>
      %dot_general3A_790 = arith.constant dense<0.000000e+00> : vector<16x256xf32>
      %dot_general3A_791 = tpu.matmul %convert_element_type3A_789, %convert_element_type3A_27, %dot_general3A_790 {dimension_numbers = #tpu.dot_dimension_numbers<[1], [0], [0], [1], [0, 0, 1, 1], [], []>, transpose_lhs_hint = false} : vector<16x256xbf16>, vector<256x256xbf16>, vector<16x256xf32> -> vector<16x256xf32>
      %get3A_792 = arith.index_cast %add3A_788 : i32 to index
      %get3A_793 = arith.constant 0 : index
      %get3A_794 = arith.constant 0 : index
      %get3A_795 = vector.load %arg0[%get3A_792, %get3A_793, %get3A_794] : memref<512x16x256xf32, #tpu.memory_space<vmem>>, vector<1x16x256xf32>
      %get3A_796 = vector.shape_cast %get3A_795 : vector<1x16x256xf32> to vector<16x256xf32>
      %exp3A_797 = math.exp %get3A_796 : vector<16x256xf32>
      %mul3A_798 = arith.mulf %dot_general3A_791, %exp3A_797 : vector<16x256xf32>
      %sub3A_799 = arith.constant 1 : i32
      %sub3A_800 = vector.broadcast %sub3A_799 : i32 to vector<16x1xi32>
      %sub3A_801 = arith.subi %get3A_34, %sub3A_800 : vector<16x1xi32>
      %eq3A_802 = vector.broadcast %add3A_788 : i32 to vector<16x1xi32>
      %eq3A_803 = arith.cmpi eq, %eq3A_802, %sub3A_801 : vector<16x1xi32>
      %broadcast_in_dim3A_804 = vector.shape_cast %eq3A_803 : vector<16x1xi1> to vector<16x1xi1>
      %broadcast_in_dim3A_805 = vector.broadcast %broadcast_in_dim3A_804 : vector<16x1xi1> to vector<16x256xi1>
      %select_n3A_806 = arith.select %broadcast_in_dim3A_805, %mul3A_798, %select_n3A_783 : vector<16x256xi1>, vector<16x256xf32>
      %broadcast_in_dim3A_807 = vector.shape_cast %eq3A_803 : vector<16x1xi1> to vector<16x1xi1>
      %broadcast_in_dim3A_808 = vector.broadcast %broadcast_in_dim3A_807 : vector<16x1xi1> to vector<16x4xi1>
      %select_n3A_809 = arith.select %broadcast_in_dim3A_808, %add3A_631, %select_n3A_786 : vector<16x4xi1>, vector<16x4xf32>
      %add3A_810 = arith.constant 7 : i32
      %add3A_811 = arith.addi %add3A_648, %add3A_810 : i32
      %convert_element_type3A_812 = arith.truncf %mul3A_798 : vector<16x256xf32> to vector<16x256xbf16>
      %dot_general3A_813 = arith.constant dense<0.000000e+00> : vector<16x256xf32>
      %dot_general3A_814 = tpu.matmul %convert_element_type3A_812, %convert_element_type3A_27, %dot_general3A_813 {dimension_numbers = #tpu.dot_dimension_numbers<[1], [0], [0], [1], [0, 0, 1, 1], [], []>, transpose_lhs_hint = false} : vector<16x256xbf16>, vector<256x256xbf16>, vector<16x256xf32> -> vector<16x256xf32>
      %get3A_815 = arith.index_cast %add3A_811 : i32 to index
      %get3A_816 = arith.constant 0 : index
      %get3A_817 = arith.constant 0 : index
      %get3A_818 = vector.load %arg0[%get3A_815, %get3A_816, %get3A_817] : memref<512x16x256xf32, #tpu.memory_space<vmem>>, vector<1x16x256xf32>
      %get3A_819 = vector.shape_cast %get3A_818 : vector<1x16x256xf32> to vector<16x256xf32>
      %exp3A_820 = math.exp %get3A_819 : vector<16x256xf32>
      %mul3A_821 = arith.mulf %dot_general3A_814, %exp3A_820 : vector<16x256xf32>
      %sub3A_822 = arith.constant 1 : i32
      %sub3A_823 = vector.broadcast %sub3A_822 : i32 to vector<16x1xi32>
      %sub3A_824 = arith.subi %get3A_34, %sub3A_823 : vector<16x1xi32>
      %eq3A_825 = vector.broadcast %add3A_811 : i32 to vector<16x1xi32>
      %eq3A_826 = arith.cmpi eq, %eq3A_825, %sub3A_824 : vector<16x1xi32>
      %broadcast_in_dim3A_827 = vector.shape_cast %eq3A_826 : vector<16x1xi1> to vector<16x1xi1>
      %broadcast_in_dim3A_828 = vector.broadcast %broadcast_in_dim3A_827 : vector<16x1xi1> to vector<16x256xi1>
      %select_n3A_829 = arith.select %broadcast_in_dim3A_828, %mul3A_821, %select_n3A_806 : vector<16x256xi1>, vector<16x256xf32>
      %broadcast_in_dim3A_830 = vector.shape_cast %eq3A_826 : vector<16x1xi1> to vector<16x1xi1>
      %broadcast_in_dim3A_831 = vector.broadcast %broadcast_in_dim3A_830 : vector<16x1xi1> to vector<16x4xi1>
      %select_n3A_832 = arith.select %broadcast_in_dim3A_831, %add3A_631, %select_n3A_809 : vector<16x4xi1>, vector<16x4xf32>
      %mul3A_833 = arith.mulf %mul3A_821, %div3A_644 : vector<16x256xf32>
      %log3A_834 = math.log %dot_general3A_637 : vector<16x4xf32>
      %add3A_835 = arith.addf %add3A_631, %log3A_834 : vector<16x4xf32>
      scf.yield %mul3A_833, %add3A_835, %select_n3A_829, %select_n3A_832 : vector<16x256xf32>, vector<16x4xf32>, vector<16x256xf32>, vector<16x4xf32>
    }
    %scan3A_59 = arith.constant 63 : i32
    %convert_element_type3A_60 = arith.truncf %scan3A_58#0 : vector<16x256xf32> to vector<16x256xbf16>
    %dot_general3A_61 = arith.constant dense<0.000000e+00> : vector<16x256xf32>
    %dot_general3A_62 = tpu.matmul %convert_element_type3A_60, %convert_element_type3A_27, %dot_general3A_61 {dimension_numbers = #tpu.dot_dimension_numbers<[1], [0], [0], [1], [0, 0, 1, 1], [], []>, transpose_lhs_hint = false} : vector<16x256xbf16>, vector<256x256xbf16>, vector<16x256xf32> -> vector<16x256xf32>
    %get3A_63 = arith.constant 505 : index
    %get3A_64 = arith.constant 0 : index
    %get3A_65 = arith.constant 0 : index
    %get3A_66 = vector.load %arg0[%get3A_63, %get3A_64, %get3A_65] : memref<512x16x256xf32, #tpu.memory_space<vmem>>, vector<1x16x256xf32>
    %get3A_67 = vector.shape_cast %get3A_66 : vector<1x16x256xf32> to vector<16x256xf32>
    %exp3A_68 = math.exp %get3A_67 : vector<16x256xf32>
    %mul3A_69 = arith.mulf %dot_general3A_62, %exp3A_68 : vector<16x256xf32>
    %sub3A_70 = arith.constant 1 : i32
    %sub3A_71 = vector.broadcast %sub3A_70 : i32 to vector<16x1xi32>
    %sub3A_72 = arith.subi %get3A_34, %sub3A_71 : vector<16x1xi32>
    %eq3A_73 = arith.constant 505 : i32
    %eq3A_74 = vector.broadcast %eq3A_73 : i32 to vector<16x1xi32>
    %eq3A_75 = arith.cmpi eq, %sub3A_72, %eq3A_74 : vector<16x1xi32>
    %broadcast_in_dim3A = vector.shape_cast %eq3A_75 : vector<16x1xi1> to vector<16x1xi1>
    %broadcast_in_dim3A_76 = vector.broadcast %broadcast_in_dim3A : vector<16x1xi1> to vector<16x256xi1>
    %select_n3A_77 = arith.select %broadcast_in_dim3A_76, %mul3A_69, %scan3A_58#2 : vector<16x256xi1>, vector<16x256xf32>
    %broadcast_in_dim3A_78 = vector.shape_cast %eq3A_75 : vector<16x1xi1> to vector<16x1xi1>
    %broadcast_in_dim3A_79 = vector.broadcast %broadcast_in_dim3A_78 : vector<16x1xi1> to vector<16x4xi1>
    %select_n3A_80 = arith.select %broadcast_in_dim3A_79, %scan3A_58#1, %scan3A_58#3 : vector<16x4xi1>, vector<16x4xf32>
    %convert_element_type3A_81 = arith.truncf %mul3A_69 : vector<16x256xf32> to vector<16x256xbf16>
    %dot_general3A_82 = arith.constant dense<0.000000e+00> : vector<16x256xf32>
    %dot_general3A_83 = tpu.matmul %convert_element_type3A_81, %convert_element_type3A_27, %dot_general3A_82 {dimension_numbers = #tpu.dot_dimension_numbers<[1], [0], [0], [1], [0, 0, 1, 1], [], []>, transpose_lhs_hint = false} : vector<16x256xbf16>, vector<256x256xbf16>, vector<16x256xf32> -> vector<16x256xf32>
    %get3A_84 = arith.constant 506 : index
    %get3A_85 = arith.constant 0 : index
    %get3A_86 = arith.constant 0 : index
    %get3A_87 = vector.load %arg0[%get3A_84, %get3A_85, %get3A_86] : memref<512x16x256xf32, #tpu.memory_space<vmem>>, vector<1x16x256xf32>
    %get3A_88 = vector.shape_cast %get3A_87 : vector<1x16x256xf32> to vector<16x256xf32>
    %exp3A_89 = math.exp %get3A_88 : vector<16x256xf32>
    %mul3A_90 = arith.mulf %dot_general3A_83, %exp3A_89 : vector<16x256xf32>
    %sub3A_91 = arith.constant 1 : i32
    %sub3A_92 = vector.broadcast %sub3A_91 : i32 to vector<16x1xi32>
    %sub3A_93 = arith.subi %get3A_34, %sub3A_92 : vector<16x1xi32>
    %eq3A_94 = arith.constant 506 : i32
    %eq3A_95 = vector.broadcast %eq3A_94 : i32 to vector<16x1xi32>
    %eq3A_96 = arith.cmpi eq, %sub3A_93, %eq3A_95 : vector<16x1xi32>
    %broadcast_in_dim3A_97 = vector.shape_cast %eq3A_96 : vector<16x1xi1> to vector<16x1xi1>
    %broadcast_in_dim3A_98 = vector.broadcast %broadcast_in_dim3A_97 : vector<16x1xi1> to vector<16x256xi1>
    %select_n3A_99 = arith.select %broadcast_in_dim3A_98, %mul3A_90, %select_n3A_77 : vector<16x256xi1>, vector<16x256xf32>
    %broadcast_in_dim3A_100 = vector.shape_cast %eq3A_96 : vector<16x1xi1> to vector<16x1xi1>
    %broadcast_in_dim3A_101 = vector.broadcast %broadcast_in_dim3A_100 : vector<16x1xi1> to vector<16x4xi1>
    %select_n3A_102 = arith.select %broadcast_in_dim3A_101, %scan3A_58#1, %select_n3A_80 : vector<16x4xi1>, vector<16x4xf32>
    %convert_element_type3A_103 = arith.truncf %mul3A_90 : vector<16x256xf32> to vector<16x256xbf16>
    %dot_general3A_104 = arith.constant dense<0.000000e+00> : vector<16x256xf32>
    %dot_general3A_105 = tpu.matmul %convert_element_type3A_103, %convert_element_type3A_27, %dot_general3A_104 {dimension_numbers = #tpu.dot_dimension_numbers<[1], [0], [0], [1], [0, 0, 1, 1], [], []>, transpose_lhs_hint = false} : vector<16x256xbf16>, vector<256x256xbf16>, vector<16x256xf32> -> vector<16x256xf32>
    %get3A_106 = arith.constant 507 : index
    %get3A_107 = arith.constant 0 : index
    %get3A_108 = arith.constant 0 : index
    %get3A_109 = vector.load %arg0[%get3A_106, %get3A_107, %get3A_108] : memref<512x16x256xf32, #tpu.memory_space<vmem>>, vector<1x16x256xf32>
    %get3A_110 = vector.shape_cast %get3A_109 : vector<1x16x256xf32> to vector<16x256xf32>
    %exp3A_111 = math.exp %get3A_110 : vector<16x256xf32>
    %mul3A_112 = arith.mulf %dot_general3A_105, %exp3A_111 : vector<16x256xf32>
    %sub3A_113 = arith.constant 1 : i32
    %sub3A_114 = vector.broadcast %sub3A_113 : i32 to vector<16x1xi32>
    %sub3A_115 = arith.subi %get3A_34, %sub3A_114 : vector<16x1xi32>
    %eq3A_116 = arith.constant 507 : i32
    %eq3A_117 = vector.broadcast %eq3A_116 : i32 to vector<16x1xi32>
    %eq3A_118 = arith.cmpi eq, %sub3A_115, %eq3A_117 : vector<16x1xi32>
    %broadcast_in_dim3A_119 = vector.shape_cast %eq3A_118 : vector<16x1xi1> to vector<16x1xi1>
    %broadcast_in_dim3A_120 = vector.broadcast %broadcast_in_dim3A_119 : vector<16x1xi1> to vector<16x256xi1>
    %select_n3A_121 = arith.select %broadcast_in_dim3A_120, %mul3A_112, %select_n3A_99 : vector<16x256xi1>, vector<16x256xf32>
    %broadcast_in_dim3A_122 = vector.shape_cast %eq3A_118 : vector<16x1xi1> to vector<16x1xi1>
    %broadcast_in_dim3A_123 = vector.broadcast %broadcast_in_dim3A_122 : vector<16x1xi1> to vector<16x4xi1>
    %select_n3A_124 = arith.select %broadcast_in_dim3A_123, %scan3A_58#1, %select_n3A_102 : vector<16x4xi1>, vector<16x4xf32>
    %convert_element_type3A_125 = arith.truncf %mul3A_112 : vector<16x256xf32> to vector<16x256xbf16>
    %dot_general3A_126 = arith.constant dense<0.000000e+00> : vector<16x256xf32>
    %dot_general3A_127 = tpu.matmul %convert_element_type3A_125, %convert_element_type3A_27, %dot_general3A_126 {dimension_numbers = #tpu.dot_dimension_numbers<[1], [0], [0], [1], [0, 0, 1, 1], [], []>, transpose_lhs_hint = false} : vector<16x256xbf16>, vector<256x256xbf16>, vector<16x256xf32> -> vector<16x256xf32>
    %get3A_128 = arith.constant 508 : index
    %get3A_129 = arith.constant 0 : index
    %get3A_130 = arith.constant 0 : index
    %get3A_131 = vector.load %arg0[%get3A_128, %get3A_129, %get3A_130] : memref<512x16x256xf32, #tpu.memory_space<vmem>>, vector<1x16x256xf32>
    %get3A_132 = vector.shape_cast %get3A_131 : vector<1x16x256xf32> to vector<16x256xf32>
    %exp3A_133 = math.exp %get3A_132 : vector<16x256xf32>
    %mul3A_134 = arith.mulf %dot_general3A_127, %exp3A_133 : vector<16x256xf32>
    %sub3A_135 = arith.constant 1 : i32
    %sub3A_136 = vector.broadcast %sub3A_135 : i32 to vector<16x1xi32>
    %sub3A_137 = arith.subi %get3A_34, %sub3A_136 : vector<16x1xi32>
    %eq3A_138 = arith.constant 508 : i32
    %eq3A_139 = vector.broadcast %eq3A_138 : i32 to vector<16x1xi32>
    %eq3A_140 = arith.cmpi eq, %sub3A_137, %eq3A_139 : vector<16x1xi32>
    %broadcast_in_dim3A_141 = vector.shape_cast %eq3A_140 : vector<16x1xi1> to vector<16x1xi1>
    %broadcast_in_dim3A_142 = vector.broadcast %broadcast_in_dim3A_141 : vector<16x1xi1> to vector<16x256xi1>
    %select_n3A_143 = arith.select %broadcast_in_dim3A_142, %mul3A_134, %select_n3A_121 : vector<16x256xi1>, vector<16x256xf32>
    %broadcast_in_dim3A_144 = vector.shape_cast %eq3A_140 : vector<16x1xi1> to vector<16x1xi1>
    %broadcast_in_dim3A_145 = vector.broadcast %broadcast_in_dim3A_144 : vector<16x1xi1> to vector<16x4xi1>
    %select_n3A_146 = arith.select %broadcast_in_dim3A_145, %scan3A_58#1, %select_n3A_124 : vector<16x4xi1>, vector<16x4xf32>
    %convert_element_type3A_147 = arith.truncf %mul3A_134 : vector<16x256xf32> to vector<16x256xbf16>
    %dot_general3A_148 = arith.constant dense<0.000000e+00> : vector<16x256xf32>
    %dot_general3A_149 = tpu.matmul %convert_element_type3A_147, %convert_element_type3A_27, %dot_general3A_148 {dimension_numbers = #tpu.dot_dimension_numbers<[1], [0], [0], [1], [0, 0, 1, 1], [], []>, transpose_lhs_hint = false} : vector<16x256xbf16>, vector<256x256xbf16>, vector<16x256xf32> -> vector<16x256xf32>
    %get3A_150 = arith.constant 509 : index
    %get3A_151 = arith.constant 0 : index
    %get3A_152 = arith.constant 0 : index
    %get3A_153 = vector.load %arg0[%get3A_150, %get3A_151, %get3A_152] : memref<512x16x256xf32, #tpu.memory_space<vmem>>, vector<1x16x256xf32>
    %get3A_154 = vector.shape_cast %get3A_153 : vector<1x16x256xf32> to vector<16x256xf32>
    %exp3A_155 = math.exp %get3A_154 : vector<16x256xf32>
    %mul3A_156 = arith.mulf %dot_general3A_149, %exp3A_155 : vector<16x256xf32>
    %sub3A_157 = arith.constant 1 : i32
    %sub3A_158 = vector.broadcast %sub3A_157 : i32 to vector<16x1xi32>
    %sub3A_159 = arith.subi %get3A_34, %sub3A_158 : vector<16x1xi32>
    %eq3A_160 = arith.constant 509 : i32
    %eq3A_161 = vector.broadcast %eq3A_160 : i32 to vector<16x1xi32>
    %eq3A_162 = arith.cmpi eq, %sub3A_159, %eq3A_161 : vector<16x1xi32>
    %broadcast_in_dim3A_163 = vector.shape_cast %eq3A_162 : vector<16x1xi1> to vector<16x1xi1>
    %broadcast_in_dim3A_164 = vector.broadcast %broadcast_in_dim3A_163 : vector<16x1xi1> to vector<16x256xi1>
    %select_n3A_165 = arith.select %broadcast_in_dim3A_164, %mul3A_156, %select_n3A_143 : vector<16x256xi1>, vector<16x256xf32>
    %broadcast_in_dim3A_166 = vector.shape_cast %eq3A_162 : vector<16x1xi1> to vector<16x1xi1>
    %broadcast_in_dim3A_167 = vector.broadcast %broadcast_in_dim3A_166 : vector<16x1xi1> to vector<16x4xi1>
    %select_n3A_168 = arith.select %broadcast_in_dim3A_167, %scan3A_58#1, %select_n3A_146 : vector<16x4xi1>, vector<16x4xf32>
    %convert_element_type3A_169 = arith.truncf %mul3A_156 : vector<16x256xf32> to vector<16x256xbf16>
    %dot_general3A_170 = arith.constant dense<0.000000e+00> : vector<16x256xf32>
    %dot_general3A_171 = tpu.matmul %convert_element_type3A_169, %convert_element_type3A_27, %dot_general3A_170 {dimension_numbers = #tpu.dot_dimension_numbers<[1], [0], [0], [1], [0, 0, 1, 1], [], []>, transpose_lhs_hint = false} : vector<16x256xbf16>, vector<256x256xbf16>, vector<16x256xf32> -> vector<16x256xf32>
    %get3A_172 = arith.constant 510 : index
    %get3A_173 = arith.constant 0 : index
    %get3A_174 = arith.constant 0 : index
    %get3A_175 = vector.load %arg0[%get3A_172, %get3A_173, %get3A_174] : memref<512x16x256xf32, #tpu.memory_space<vmem>>, vector<1x16x256xf32>
    %get3A_176 = vector.shape_cast %get3A_175 : vector<1x16x256xf32> to vector<16x256xf32>
    %exp3A_177 = math.exp %get3A_176 : vector<16x256xf32>
    %mul3A_178 = arith.mulf %dot_general3A_171, %exp3A_177 : vector<16x256xf32>
    %sub3A_179 = arith.constant 1 : i32
    %sub3A_180 = vector.broadcast %sub3A_179 : i32 to vector<16x1xi32>
    %sub3A_181 = arith.subi %get3A_34, %sub3A_180 : vector<16x1xi32>
    %eq3A_182 = arith.constant 510 : i32
    %eq3A_183 = vector.broadcast %eq3A_182 : i32 to vector<16x1xi32>
    %eq3A_184 = arith.cmpi eq, %sub3A_181, %eq3A_183 : vector<16x1xi32>
    %broadcast_in_dim3A_185 = vector.shape_cast %eq3A_184 : vector<16x1xi1> to vector<16x1xi1>
    %broadcast_in_dim3A_186 = vector.broadcast %broadcast_in_dim3A_185 : vector<16x1xi1> to vector<16x256xi1>
    %select_n3A_187 = arith.select %broadcast_in_dim3A_186, %mul3A_178, %select_n3A_165 : vector<16x256xi1>, vector<16x256xf32>
    %broadcast_in_dim3A_188 = vector.shape_cast %eq3A_184 : vector<16x1xi1> to vector<16x1xi1>
    %broadcast_in_dim3A_189 = vector.broadcast %broadcast_in_dim3A_188 : vector<16x1xi1> to vector<16x4xi1>
    %select_n3A_190 = arith.select %broadcast_in_dim3A_189, %scan3A_58#1, %select_n3A_168 : vector<16x4xi1>, vector<16x4xf32>
    %convert_element_type3A_191 = arith.truncf %mul3A_178 : vector<16x256xf32> to vector<16x256xbf16>
    %dot_general3A_192 = arith.constant dense<0.000000e+00> : vector<16x256xf32>
    %dot_general3A_193 = tpu.matmul %convert_element_type3A_191, %convert_element_type3A_27, %dot_general3A_192 {dimension_numbers = #tpu.dot_dimension_numbers<[1], [0], [0], [1], [0, 0, 1, 1], [], []>, transpose_lhs_hint = false} : vector<16x256xbf16>, vector<256x256xbf16>, vector<16x256xf32> -> vector<16x256xf32>
    %get3A_194 = arith.constant 511 : index
    %get3A_195 = arith.constant 0 : index
    %get3A_196 = arith.constant 0 : index
    %get3A_197 = vector.load %arg0[%get3A_194, %get3A_195, %get3A_196] : memref<512x16x256xf32, #tpu.memory_space<vmem>>, vector<1x16x256xf32>
    %get3A_198 = vector.shape_cast %get3A_197 : vector<1x16x256xf32> to vector<16x256xf32>
    %exp3A_199 = math.exp %get3A_198 : vector<16x256xf32>
    %mul3A_200 = arith.mulf %dot_general3A_193, %exp3A_199 : vector<16x256xf32>
    %sub3A_201 = arith.constant 1 : i32
    %sub3A_202 = vector.broadcast %sub3A_201 : i32 to vector<16x1xi32>
    %sub3A_203 = arith.subi %get3A_34, %sub3A_202 : vector<16x1xi32>
    %eq3A_204 = arith.constant 511 : i32
    %eq3A_205 = vector.broadcast %eq3A_204 : i32 to vector<16x1xi32>
    %eq3A_206 = arith.cmpi eq, %sub3A_203, %eq3A_205 : vector<16x1xi32>
    %broadcast_in_dim3A_207 = vector.shape_cast %eq3A_206 : vector<16x1xi1> to vector<16x1xi1>
    %broadcast_in_dim3A_208 = vector.broadcast %broadcast_in_dim3A_207 : vector<16x1xi1> to vector<16x256xi1>
    %select_n3A_209 = arith.select %broadcast_in_dim3A_208, %mul3A_200, %select_n3A_187 : vector<16x256xi1>, vector<16x256xf32>
    %broadcast_in_dim3A_210 = vector.shape_cast %eq3A_206 : vector<16x1xi1> to vector<16x1xi1>
    %broadcast_in_dim3A_211 = vector.broadcast %broadcast_in_dim3A_210 : vector<16x1xi1> to vector<16x4xi1>
    %select_n3A_212 = arith.select %broadcast_in_dim3A_211, %scan3A_58#1, %select_n3A_190 : vector<16x4xi1>, vector<16x4xf32>
    %mul3A_213 = vector.broadcast %exp3A_31 : vector<1x256xf32> to vector<16x256xf32>
    %mul3A_214 = arith.mulf %select_n3A_209, %mul3A_213 : vector<16x256xf32>
    %dot_general3A_215 = arith.constant dense<0.000000e+00> : vector<16x4xf32>
    %dot_general3A_216 = tpu.matmul %mul3A_214, %transpose3A, %dot_general3A_215 {dimension_numbers = #tpu.dot_dimension_numbers<[1], [0], [0], [1], [0, 0, 1, 1], [], []>, transpose_lhs_hint = false} : vector<16x256xf32>, vector<256x4xf32>, vector<16x4xf32> -> vector<16x4xf32>
    %log3A_217 = math.log %dot_general3A_216 : vector<16x4xf32>
    %add3A_218 = arith.addf %select_n3A_212, %log3A_217 : vector<16x4xf32>
    %swap3A = arith.constant 0 : index
    %swap3A_219 = arith.constant 0 : index
    %swap3A_220 = vector.load %arg5[%swap3A, %swap3A_219] : memref<16x4xf32, #tpu.memory_space<vmem>>, vector<16x4xf32>
    tpu.vector_store %arg5[%swap3A, %swap3A_219], %add3A_218 {strides = array<i32>} : memref<16x4xf32, #tpu.memory_space<vmem>>, vector<16x4xf32>,
    return
  }
}

</mosaic_0001>

<sc_bundles>
// kernel: kernel.4.cloned.1.call-start
scs
__scs_entry_jumppad:
0x0: {  	(pc) =	sbr.rel $0x88, $3  }
0x1: {  	(tag) =	ssettag $0x0;
	lr =	simm.s32 $0x1  }
0x2: {  	[smem:$0x3F9B] =	sst lr;
	_ =	strace $0xD0000000  }
0x3: {  	_ = 	snop  }
0x4: {  	_ = 	snop  }
0x5: {  	_ = 	snop  }
0x6: {  	_ = 	snop  }
0x7: {  	_ = 	snop  }
__scs_overlays_trampoline_lowered:
0x8: {  	[smem:$0x3FAA] =	sst s0  }
0x9: {  	[smem:$0x3FAB] =	sst s1  }
0xa: {  	[smem:$0x3FAC] =	sst s2  }
0xb: {  	[smem:$0x3FAD] =	sst s3  }
0xc: {  	[smem:$0x3FAE] =	sst s4  }
0xd: {  	[smem:$0x3FAF] =	sst s5  }
0xe: {  	[smem:$0x3FB0] =	sst s6  }
0xf: {  	[smem:$0x3FB1] =	sst s7  }
0x10: {  	[smem:$0x3FB2] =	sst s8  }
0x11: {  	[smem:$0x3FB3] =	sst s9;
	s0 =	simm.s32 @!p0 $0x0  }
0x12: {  	s1 =	sld [smem:$0x3F99];
	s0 =	simm.s32 @p0 $0x1  }
0x13: {  	[smem:$0x3FB4] =	sst s0;
	s0 =	simm.s32 @!p1 $0x0  }
0x14: {  	s2 =	sld [smem:$0x3F98];
	s0 =	simm.s32 @p1 $0x1  }
0x15: {  	[smem:$0x3FB5] =	sst s0;
	s0 =	simm.s32 @!p2 $0x0  }
0x16: {  	s3 =	sld [smem:$0x3FDB];
	s0 =	simm.s32 @p2 $0x1  }
0x17: {  	s4 =	simm.s32 $0x1BF5;
	[smem:$0x3FB7] =	sst s0  }
0x18: {  	s0 =	sld [smem:$0x3F9A];
	_ =	swait.ge [sflag:s4], $0x0  }
0x19: {  	s7 =	sld [smem:$0x3F9B]  }
0x1a: {  	s8 =	sadd.s32 $0xFFFFE003, lr  }
0x1b: {  	s9 =	sadd.s32 $0xFFFFFEF7, lr;
	s5 =	simm.s32 $0xFFFFFFFF;
	p2 =	slt.u32 s8, $0xFFFFF086  }
0x1c: {  	p1 =	slt.u32 s9, $0xF7A;
	s5 =	simm.s32 @!p2 $0x0  }
0x1d: {  	s5 =	simm.s32 @p1 $0x1;
	p0 =	seq.s32 s7, s2  }
0x1e: {  	s7 =	smul.u32 @!p0 $0xF7A, s2;
	p2 =	seq.s32 @!p0 s5, $0x0  }
0x1f: {  	s9 =	smul.u32 $0xF7A, s1;
	s8 =	simm.s32 @!p0 $0x1BF5;
	p2 =	por !p2, p0  }
0x20: {  	[sflag:s8] =	ssyncset.s32 @!p0 $0xFFFFF086;
	s6 =	sadd.s32 @!p0 s3, s7;
	s7 =	simm.s32 @!p0 $0x108  }
0x21: {  	s3 =	sadd.s32 s3, s9;
	s6 =	sadd.s32 @!p0 $0x88, s6;
	s7 =	simm.s32 @p2 $0x1082  }
0x22: {  	[simem:s7], [sflag:s8] =	dma.local @!p0 [hbm:s6], $0xF7A  }
0x23: {  	s9 =	sor.u32 $0xD0000000, s2;
	s6 =	simm.s32 $0x108;
	_ =	swait.ge @!p0 [sflag:s8], $0x0  }
0x24: {  	s3 =	sadd.s32 $0x88, s3;
	s6 =	simm.s32 @!p1 $0x1082;
	[sflag:s4] =	ssyncset.s32 $0xFFFFF086  }
0x25: {  	[simem:s6], [sflag:s4] =	dma.local [hbm:s3], $0xF7A  }
0x26: {  	[smem:$0x3F9B] =	sst s1;
	(tag) =	ssettag s2;
	_ =	strace s9  }
0x27: {  	s1 =	sld [smem:$0x3FAB]  }
0x28: {  	s2 =	sld [smem:$0x3FAC]  }
0x29: {  	s4 =	sld [smem:$0x3FAE]  }
0x2a: {  	p0 =	seq.s32 s5, $0x0;
	s5 =	sld [smem:$0x3FAF]  }
0x2b: {  	s6 =	sld [smem:$0x3FB0]  }
0x2c: {  	s7 =	sld [smem:$0x3FB1]  }
0x2d: {  	s3 =	simm.s32 $0x108;
	s8 =	sld [smem:$0x3FB2]  }
0x2e: {  	s3 =	simm.s32 @!p0 $0x1082;
	s9 =	sld [smem:$0x3FB3]  }
0x2f: {  	lr =	sadd.s32 s0, s3;
	s0 =	sld [smem:$0x3FAA]  }
0x30: {  	s3 =	sld [smem:$0x3FAD]  }
0x31: {  	[smem:$0x3FB6] =	sst s10  }
0x32: {  	s10 =	sld [smem:$0x3FB4];
	_ =	sdelay $0x3  }
0x33: {  	p0 =	seq.s32 s10, $0x1;
	s10 =	sld [smem:$0x3FB6];
	_ =	sdelay $0x3  }
0x34: {  	[smem:$0x3FB6] =	sst s10  }
0x35: {  	s10 =	sld [smem:$0x3FB5];
	_ =	sdelay $0x3  }
0x36: {  	p1 =	seq.s32 s10, $0x1;
	s10 =	sld [smem:$0x3FB6];
	_ =	sdelay $0x3  }
0x37: {  	[smem:$0x3FB6] =	sst s10  }
0x38: {  	s10 =	sld [smem:$0x3FB7]  }
0x39: {  	_ = 	snop;
	(pc) =	sbr.ind lr, $3  }
0x3a: {  	_ = 	snop  }
0x3b: {  	_ = 	snop  }
0x3c: {  	p2 =	seq.s32 s10, $0x1;
	s10 =	sld [smem:$0x3FB6]  }
0x3d: {  	_ =	shalt  }
0x3e: {  	_ =	shalt  }
0x3f: {  	_ =	shalt  }
0x40: {  	_ =	shalt  }
0x41: {  	_ =	shalt  }
0x42: {  	_ =	shalt  }
0x43: {  	_ =	shalt  }
0x44: {  	_ =	shalt  }
0x45: {  	_ =	shalt  }
0x46: {  	_ =	shalt  }
0x47: {  	_ =	shalt  }
0x48: {  	_ =	shalt  }
0x49: {  	_ =	shalt  }
0x4a: {  	_ =	shalt  }
0x4b: {  	_ =	shalt  }
0x4c: {  	_ =	shalt  }
0x4d: {  	_ =	shalt  }
0x4e: {  	_ =	shalt  }
0x4f: {  	_ =	shalt  }
0x50: {  	_ =	shalt  }
0x51: {  	_ =	shalt  }
0x52: {  	_ =	shalt  }
0x53: {  	_ =	shalt  }
0x54: {  	_ =	shalt  }
0x55: {  	_ =	shalt  }
0x56: {  	_ =	shalt  }
0x57: {  	_ =	shalt  }
0x58: {  	_ =	shalt  }
0x59: {  	_ =	shalt  }
0x5a: {  	_ =	shalt  }
0x5b: {  	_ =	shalt  }
0x5c: {  	_ =	shalt  }
0x5d: {  	_ =	shalt  }
0x5e: {  	_ =	shalt  }
0x5f: {  	_ =	shalt  }
0x60: {  	_ =	shalt  }
0x61: {  	_ =	shalt  }
0x62: {  	_ =	shalt  }
0x63: {  	_ =	shalt  }
0x64: {  	_ =	shalt  }
0x65: {  	_ =	shalt  }
0x66: {  	_ =	shalt  }
0x67: {  	_ =	shalt  }
0x68: {  	_ =	shalt  }
0x69: {  	_ =	shalt  }
0x6a: {  	_ =	shalt  }
0x6b: {  	_ =	shalt  }
0x6c: {  	_ =	shalt  }
0x6d: {  	_ =	shalt  }
0x6e: {  	_ =	shalt  }
0x6f: {  	_ =	shalt  }
0x70: {  	_ =	shalt  }
0x71: {  	_ =	shalt  }
0x72: {  	_ =	shalt  }
0x73: {  	_ =	shalt  }
0x74: {  	_ =	shalt  }
0x75: {  	_ =	shalt  }
0x76: {  	_ =	shalt  }
0x77: {  	_ =	shalt  }
0x78: {  	_ =	shalt  }
0x79: {  	_ =	shalt  }
0x7a: {  	_ =	shalt  }
0x7b: {  	_ =	shalt  }
0x7c: {  	_ =	shalt  }
0x7d: {  	_ =	shalt  }
0x7e: {  	_ =	shalt  }
0x7f: {  	_ =	shalt  }
0x80: {  	_ =	shalt  }
0x81: {  	_ =	shalt  }
0x82: {  	_ =	shalt  }
0x83: {  	_ =	shalt  }
0x84: {  	_ =	shalt  }
0x85: {  	_ =	shalt  }
0x86: {  	_ =	shalt  }
0x87: {  	_ =	shalt  }
.Lfunc_end0:
.L_simem_size_0:
called_computation_lowered:
.L_overlay_start_0:
0x88: {  	s2 =	sld [smem:$0x3FD9]  }
0x89: {  	s3 =	sld [smem:$0x3FFE];
	_ =	sdelay $0x1  }
0x8a: {  	s1 =	srdreg.scid  }
0x8b: {  	s0 =	sand.u32 $0x1, s1  }
0x8c: {  	s17 =	sshll.u32 s0, $0xA;
	s2 =	sadd.s32 s3, s2  }
0x8d: {  	s2 =	sadd.s32 s2, s17  }
0x8e: {  	[smem:$0x3FC2] =	sst s2  }
0x8f: {  	_ = 	snop  }
0x90: {  	s2 =	sld [smem:$0x3FD0];
	(tm) =	ssettm $0x1  }
0x91: {  	s18 =	sld [smem:$0x3FFB];
	_ =	sdelay $0x3  }
0x92: {  	_ =	strace s18  }
0x93: {  	s3 =	sld [smem:$0x3FFC];
	_ =	sdelay $0x3  }
0x94: {  	_ =	strace s3  }
0x95: {  	s3 =	sld [smem:$0x3FFD];
	_ =	sdelay $0x3  }
0x96: {  	_ =	strace s3  }
0x97: {  	_ =	strace $0x8FFFFFFF  }
0x98: {  	s19 =	sld [smem:$0x3FDB];
	_ =	sdelay $0x1  }
0x99: {  	s4 =	simm.s32 $_scs_section_size  }
0x9a: {  	s5 =	simm.s32 $_size__tile_overlayer_lowered;
	s6 =	simm.s32 $_tile_overlayer_lowered  }
0x9b: {  	s22 =	simm.s32 $0x1BFF;
	s21 =	sshll.u32 s6, $0x1;
	s3 =	sadd.s32 s4, s19  }
0x9c: {  	s7 =	simm.s32 $0x0;
	s20 =	sshll.u32 s5, $0x1;
	s5 =	sadd.s32 s21, s3  }
0x9d: {  	[timem:s7], [sflag:s22] =	dma.local [hbm:s5], s20  }
0x9e: {  	_ =	swait.ge [sflag:s22], s20  }
0x9f: {  	s4 =	ssub.s32 $0x0, s20;
	[sflag:s22] =	ssyncset.done $0x0  }
0xa0: {  	[sflag:s22] =	ssyncadd.s32 s4;
	_ =	sdelay $0x1  }
0xa1: {  	s23 =	simm.s32 $0x1B8B  }
0xa2: {  	_ =	swait.ge [sflag:s23], $0x1  }
0xa3: {  	[sflag:s23] =	ssyncset.done $0x0  }
0xa4: {  	s25 =	simm.s32 $0x1B8E;
	s24 =	sld [smem:$0x3FFE];
	[sflag:s23] =	ssyncadd.s32 $0xFFFFFFFF  }
0xa5: {  	s26 =	simm.s32 $execute0_lowered;
	[smem:$0x3FD2] =	sst s25  }
0xa6: {  	s5 =	sshll.u32 s26, $0x1;
	_ =	strace $0x80000046;
	[dreg:$0x1] =	wrdreg $0xFFFFFFFF  }
0xa7: {  	s28 =	simm.s32 $_size_execute0_lowered;
	s3 =	sadd.s32 s3, s5;
	[dreg:$0x0] =	wrdreg $0x0  }
0xa8: {  	s5 =	sshll.u32 s28, $0x1;
	[dreg:$0x2] =	wrdreg s3  }
0xa9: {  	[dreg:$0x3] =	wrdreg s5  }
0xaa: {  	[dreg:$0x4] =	wrdreg $0xC0  }
0xab: {  	_ =	task [dreg:s7], $0x5FFFF  }
0xac: {  	[dreg:$0x1] =	wrdreg $0xFFFFFFFF  }
0xad: {  	[dreg:$0x0] =	wrdreg $0x60  }
0xae: {  	[dreg:$0x2] =	wrdreg s24  }
0xaf: {  	[dreg:$0x3] =	wrdreg s2  }
0xb0: {  	[dreg:$0x4] =	wrdreg $0x9  }
0xb1: {  	_ =	task.clear_ibuf [dreg:s7], $0x5FFFF;
	_ =	strace $0x90000046  }
0xb2: {  	s29 =	simm.s32 $0x9;
	_ =	strace $0x80000048  }
0xb3: {  	_ =	swait.ge [sflag:s29], $0x1  }
0xb4: {  	[sflag:s29] =	ssyncadd.s32 $0xFFFFFFFF  }
0xb5: {  	_ =	strace $0x90000048  }
0xb6: {  	_ =	sfence  }
0xb7: {  	s30 =	sld [smem:$0x0];
	_ =	sdelay $0x2  }
0xb8: {  	s31 =	sshll.u32 s1, $0xD;
	s1 =	sshrl.u32 s1, $0x2  }
0xb9: {  	s3 =	sand.u32 $0x4000, s31;
	s1 =	sadd.s32 s1, s30  }
0xba: {  	s0 =	sor.u32 s3, s0;
	s1 =	sshll.u32 s1, $0x11  }
0xbb: {  	s0 =	sor.u32 s1, s0  }
0xbc: {  	s0 =	sadd.s32 $0x8F2B, s0  }
0xbd: {  	[sflag:s0] =	ssyncadd.remote.s32 $0x1  }
0xbe: {  	_ =	sfence.sel $0xFFFF  }
0xbf: {  	[dreg:$0x0] =	wrdreg $0xFFFFFFFF;
	(pc) =	sbr.abs _section_cstart, $3  }
0xc0: {  	[dreg:$0x1] =	wrdreg $0xFFFFFFFF  }
0xc1: {  	_ =	task.clear_ibuf [dreg:s7], $0x2FFFF;
	_ =	strace $0x9FFFFFFF  }
0xc2: {  	(tm) =	ssettm $0x7FFFFFFF  }
0xc3: {  	_ =	shalt  }
tec
execute0_lowered:
.L_overlay_start_1:
0x0: {  	(tag) =	ssettag $0x1  }
0x1: {  	s7 =	rddreg [dreg:$0x0];
	s1 =	srdreg.scid  }
0x2: {  	s0 =	stileid.u32;
	s2 =	rddreg [dreg:$0x1]  }
0x3: {  	s3 =	simm.s32 $0x0;
	s16 =	simm.s32 $0x14480;
	s17 =	simm.s32 $0x14580  }
0x4: {  	s18 =	simm.s32 $0x14680;
	s19 =	simm.s32 $0x14700;
	s20 =	simm.s32 $0x0  }
0x5: {  	s12 =	sand.u32 $0x1, s1;
	s4 =	sshll.u32 s0, $0x1;
	s1 =	rddreg [dreg:$0x2]  }
0x6: {  	[smem:$0x7FF] =	sst s3;
	s10 =	sadd.s32 $0x41400, s7;
	s5 =	sadd.s32 $0x42600, s7  }
0x7: {  	s6 =	sadd.s32 $0x42E00, s7;
	s31 =	sshll.u32 s0, $0x5;
	s8 =	sor.u32 s12, s4  }
0x8: {  	_ =	strace $0x80000047;
	s11 =	ssub.s32 $0x2, s12;
	s12 =	sshll.u32 s12, $0x4  }
0x9: {  	s4 =	sshll.u32 s8, $0xD;
	s13 =	sshll.u32 s8, $0xA;
	s14 =	sshll.u32 s8, $0x4  }
0xa: {  	s15 =	sshrl.u32 s11, $0x1;
	s30 =	sshll.u32 s8, $0x7;
	s12 =	sor.u32 s12, s31  }
0xb: {  	s9 =	sadd.s32 s4, s7;
	s4 =	sadd.s32 $0x42400, s7;
	s13 =	smax.u32 s13, $0x40  }
0xc: {  	v1 =	vlaneseq.u32;
	s14 =	sadd.s32 s14, s7;
	s11 =	ssub.s32 s11, s15;
	s15 =	simm.s32 $0x10480  }
0xd: {  	v0 =	vmul.u32 $0x40, v1;
	v2 =	vand.u32 $0x3, v1;
	s13 =	sadd.s32 $0xFFFFFFC0, s13;
	s7 =	sadd.s32 $0x1400, s9;
	s9 =	sadd.s32 s10, s30  }
0xe: {  	v3 =	vimm.f32 $0.0e+00;
	v1 =	vmul.u32 $0x1000, v2;
	v2 =	vmul.u32 $0x40, v2;
	s11 =	smax.u32 s11, $0x1;
	s29 =	sshrl.u32 s13, $0x3;
	s13 =	simm.s32 $0x1  }
0xf: {  	v4 =	vor.u32 $0x400, v0;
	v5 =	vor.u32 $0x800, v0;
	v6 =	vor.u32 $0xC00, v0;
	s8 =	sadd.s32 s10, s29;
	s10 =	sadd.s32 $0x43000, s14;
	s14 =	simm.s32 $0x10000  }
.LBB2_1:
0x10: {  	[tilespmem:s3], [sflag:$0x1] =	stream.linear.gather [hbm4b:s7+s3], $0x10000, $0x38;
	[tilespmem:$0x14780] =	vst v63  }
0x11: {  	_ =	swait.ge [sflag:s13], $0x10000  }
0x12: {  	[sflag:s13] =	ssyncset.done $0x0  }
0x13: {  	[sflag:s13] =	ssyncadd.s32 $0xFFFF0000  }
0x14: {  	[tilespmem:s14], [sflag:$0x1] =	stream.linear.gather [hbm4b:s8+s3], $0x40, $0x38;
	[tilespmem:$0x14780] =	vst v63  }
0x15: {  	_ =	swait.ge [sflag:s13], $0x40  }
0x16: {  	[sflag:s13] =	ssyncset.done $0x0  }
0x17: {  	s21 =	simm.s32 $0x10040;
	[sflag:s13] =	ssyncadd.s32 $0xFFFFFFC0  }
0x18: {  	[tilespmem:s21], [sflag:$0x1] =	stream.linear.gather [hbm4b:s9+s3], $0x400, $0x38;
	[tilespmem:$0x14780] =	vst v63  }
0x19: {  	_ =	swait.ge [sflag:s13], $0x400  }
0x1a: {  	[sflag:s13] =	ssyncset.done $0x0  }
0x1b: {  	[sflag:s13] =	ssyncadd.s32 $0xFFFFFC00  }
0x1c: {  	[tilespmem:s15], [sflag:$0x1] =	stream.linear.gather [hbm4b:s5+s3], $0x4000, $0x38;
	[tilespmem:$0x14780] =	vst v63  }
0x1d: {  	_ =	swait.ge [sflag:s13], $0x4000  }
0x1e: {  	[sflag:s13] =	ssyncset.done $0x0  }
0x1f: {  	[sflag:s13] =	ssyncadd.s32 $0xFFFFC000  }
0x20: {  	[tilespmem:s16], [sflag:$0x1] =	stream.linear.gather [hbm4b:s2+s3], $0x100, $0x38;
	[tilespmem:$0x14780] =	vst v63  }
0x21: {  	_ =	swait.ge [sflag:s13], $0x100  }
0x22: {  	[sflag:s13] =	ssyncset.done $0x0  }
0x23: {  	[sflag:s13] =	ssyncadd.s32 $0xFFFFFF00  }
0x24: {  	[tilespmem:s17], [sflag:$0x1] =	stream.linear.gather [hbm4b:s6+s3], $0x100, $0x38;
	[tilespmem:$0x14780] =	vst v63  }
0x25: {  	_ =	swait.ge [sflag:s13], $0x100  }
0x26: {  	[sflag:s13] =	ssyncset.done $0x0  }
0x27: {  	[sflag:s13] =	ssyncadd.s32 $0xFFFFFF00  }
0x28: {  	[tilespmem:s18], [sflag:$0x1] =	stream.linear.gather [hbm4b:s4+s3], $0x80, $0x38;
	[tilespmem:$0x14780] =	vst v63  }
0x29: {  	_ =	swait.ge [sflag:s13], $0x80  }
0x2a: {  	[sflag:s13] =	ssyncset.done $0x0  }
0x2b: {  	[sflag:s13] =	ssyncadd.s32 $0xFFFFFF80  }
0x2c: {  	v10 =	vld [tilespmem:$0x14680]  }
0x2d: {  	v8 =	vld [tilespmem:$0x14690]  }
0x2e: {  	v9 =	vld [tilespmem:$0x146A0]  }
0x2f: {  	v11 =	vld [tilespmem:s21+$0x30]  }
0x30: {  	v12 =	vld [tilespmem:s21+$0x0]  }
0x31: {  	v7 =	vld [tilespmem:$0x146B0]  }
0x32: {  	v13 =	vld [tilespmem:s21+$0xFFFFFFF0]  }
0x33: {  	v14 =	vld [tilespmem:s21+$0x20]  }
0x34: {  	v18 =	vld [tilespmem:s21+$0x10]  }
0x35: {  	v20 =	vld [tilespmem:s21+$0xFFFFFFE0]  }
0x36: {  	v21 =	vld [tilespmem:s21+$0xFFFFFFD0];
	v16 =	vadd.s32 v2, v11  }
0x37: {  	s22 =	simm.s32 $0x10080;
	v22 =	vld [tilespmem:s21+$0xFFFFFFC0];
	v19 =	vadd.s32 v2, v12  }
0x38: {  	v35 =	vld [tilespmem:s22+$0x30]  }
0x39: {  	v41 =	vld [tilespmem:s22+$0xFFFFFFF0];
	v15 =	vadd.s32 s3, v12  }
0x3a: {  	v25 =	vadd.s32 v2, v18;
	v23 =	vadd.s32 v0, v15;
	v15 =	vld [tilespmem:s22+$0x0]  }
0x3b: {  	v24 =	vadd.s32 s3, v18;
	v26 =	vld.idx.msk [tilespmem:v16+s17+$0x0], $0xffff  }
0x3c: {  	v27 =	vadd.s32 s3, v11;
	v24 =	vadd.s32 v4, v24;
	v17 =	vld.idx.msk [tilespmem:v19+s17+$0x0], $0xffff  }
0x3d: {  	v22 =	vshll.u32 v22, $0x6;
	v30 =	vld.idx.msk [tilespmem:v19+s16+$0x0], $0xffff;
	v19 =	vadd.s32 v6, v27  }
0x3e: {  	v13 =	vshll.u32 v13, $0x6;
	v12 =	vadd.s32 v22, v12;
	v28 =	vld.idx.msk [tilespmem:v16+s16+$0x0], $0xffff  }
0x3f: {  	v11 =	vadd.s32 v13, v11;
	v16 =	vshll.u32 v20, $0x6;
	v20 =	vadd.s32 v1, v12;
	v22 =	vld.idx.msk [tilespmem:v25+s16+$0x0], $0xffff  }
0x40: {  	v12 =	vshll.u32 v21, $0x6;
	v21 =	vadd.s32 v1, v11;
	v31 =	vld.idx.msk [tilespmem:v23+s3+$0x0], $0xffff;
	v16 =	vadd.s32 v16, v14  }
0x41: {  	v32 =	vld.idx.msk [tilespmem:v24+s3+$0x0], $0xffff;
	v11 =	vadd.s32 v12, v18;
	v23 =	vadd.s32 v1, v16  }
0x42: {  	v33 =	vld.idx.msk [tilespmem:v19+s3+$0x0], $0xffff;
	v19 =	vadd.s32 v1, v11  }
0x43: {  	v36 =	vmov s12;
	s21 =	simm.s32 $0x1000;
	v16 =	vld.idx.msk [tilespmem:v25+s17+$0x0], $0xffff;
	v25 =	vadd.s32 v2, v14  }
0x44: {  	v38 =	vadd.s32 s21, v35;
	vm1 =	vlt.s32 v36, v10;
	vm0 =	vlt.s32 v36, v9;
	v29 =	vld.idx.msk [tilespmem:v20+s15+$0x0], $0xffff  }
0x45: {  	vm3 =	vlt.s32 v36, v8;
	v43 =	vshll.u32 v41, $0x6;
	v18 =	vadd.s32 s3, v14;
	v37 =	vld.idx.msk [tilespmem:v21+s15+$0x0], $0xffff  }
0x46: {  	v13 =	vadd.s32 $0xFFFFFFFF, v8;
	v12 =	vadd.s32 $0xFFFFFFFF, v10;
	v34 =	vadd.s32 v5, v18;
	v20 =	vld.idx.msk [tilespmem:v23+s15+$0x0], $0xffff  }
0x47: {  	v14 =	vadd.s32 $0xFFFFFFFF, v7;
	v18 =	vadd.s32 v2, v15;
	vm2 =	veq.s32 v36, v12;
	v39 =	vld.idx.msk [tilespmem:v19+s15+$0x0], $0xffff  }
0x48: {  	vm4 =	veq.s32 v36, v14;
	v11 =	vadd.s32 $0xFFFFFFFF, v9;
	v30 =	vadd.f32 v30, v31;
	v24 =	vld.idx.msk [tilespmem:v25+s16+$0x0], $0xffff  }
0x49: {  	v23 =	vadd.s32 s21, v15;
	v21 =	vld.idx.msk [tilespmem:v25+s17+$0x0], $0xffff;
	v25 =	vsel vm1, $0x3F800000, v3;
	v40 =	vadd.f32 v29, v31  }
0x4a: {  	v42 =	vld [tilespmem:s22+$0xFFFFFFC0];
	vm1 =	veq.s32 v36, v13;
	v27 =	vadd.s32 v0, v23;
	v23 =	vadd.f32 v22, v32  }
0x4b: {  	v19 =	vadd.s32 v2, v35;
	v22 =	vadd.f32 v28, v33;
	v29 =	vld.idx.msk [tilespmem:v34+s3+$0x0], $0xffff;
	v25 =	vmul.f32 v40, v25  }
0x4c: {  	p0 =	seq.s32 s12, $0x0;
	v28 =	vadd.s32 v6, v38;
	v34 =	vld [tilespmem:s22+$0x20];
	v33 =	vadd.f32 v37, v33;
	v31 =	vadd.f32 v39, v32  }
0x4d: {  	v38 =	vld [tilespmem:s22+$0x10];
	v37 =	vpsel p0, v30, v25;
	v25 =	vsel vm3, $0x3F800000, v3;
	v30 =	vsel vm4, $0x3F800000, v3  }
0x4e: {  	v40 =	vld [tilespmem:s22+$0xFFFFFFE0];
	v32 =	vimm.f32 $0.0e+00;
	v39 =	vmul.f32 v31, v25;
	v31 =	vmul.f32 v26, v30  }
0x4f: {  	s23 =	simm.s32 $0x2000;
	s24 =	simm.s32 $0x100C0;
	v41 =	vld [tilespmem:s22+$0xFFFFFFD0];
	s22 =	smov.u32 s12;
	v30 =	vimm.f32 $0.0e+00;
	v26 =	vimm.f32 $0.0e+00;
	v25 =	vimm.f32 $0.0e+00  }
.LBB2_2:
0x50: {  	p1 =	sne.s32 s23, $0xF000  }
0x51: {  	v44 =	vld [tilespmem:s24+$0x0];
	v45 =	vadd.s32 s21, v34;
	v35 =	vadd.s32 v43, v35;
	v43 =	vsel vm2, $0x3F800000, v3;
	s22 =	sadd.s32 $0x1, s22;
	s25 =	smov.u32 s23;
	s23 =	sadd.s32 $0x1000, s23  }
0x52: {  	v46 =	vadd.s32 s21, v38;
	v47 =	vadd.s32 v2, v38;
	v48 =	vld.idx.msk [tilespmem:v19+s17+$0x0], $0xffff;
	v43 =	vmul.f32 v17, v43;
	s21 =	smov.u32 s25  }
0x53: {  	vm2 =	veq.s32 v36, v11;
	v17 =	vld.idx.msk [tilespmem:v18+s17+$0x0], $0xffff;
	v46 =	vadd.s32 v4, v46;
	v40 =	vshll.u32 v40, $0x6  }
0x54: {  	vm3 =	vlt.s32 v36, v7;
	v49 =	vld.idx.msk [tilespmem:v18+s16+$0x0], $0xffff;
	v18 =	vshll.u32 v41, $0x6;
	v40 =	vadd.s32 v40, v34  }
0x55: {  	v36 =	vshll.u32 v42, $0x6;
	v40 =	vadd.s32 v1, v40;
	v41 =	vld.idx.msk [tilespmem:v19+s16+$0x0], $0xffff;
	v19 =	vsel vm3, $0x3F800000, v3  }
0x56: {  	v18 =	vadd.s32 v18, v38;
	v42 =	vld.idx.msk [tilespmem:v27+s3+$0x0], $0xffff;
	v27 =	vadd.s32 v36, v15;
	v36 =	vsel vm2, $0x3F800000, v3;
	v15 =	vmovc v44  }
0x57: {  	v51 =	vsel vm1, $0x3F800000, v3;
	v50 =	vadd.s32 v1, v35;
	v38 =	vadd.s32 v1, v27;
	v44 =	vld.idx.msk [tilespmem:v47+s16+$0x0], $0xffff  }
0x58: {  	v32 =	vadd.f32 v37, v32;
	v45 =	vadd.s32 v5, v45;
	v52 =	vadd.s32 v1, v18;
	v46 =	vld.idx.msk [tilespmem:v46+s3+$0x0], $0xffff  }
0x59: {  	v23 =	vpsel p0, v23, v39;
	v39 =	vadd.f32 v24, v29;
	v34 =	vadd.s32 v2, v34;
	v37 =	vld.idx.msk [tilespmem:v47+s17+$0x0], $0xffff  }
0x5a: {  	v19 =	vmul.f32 v33, v19;
	v24 =	vadd.s32 s21, v15;
	v18 =	vadd.s32 v2, v15;
	v40 =	vld.idx.msk [tilespmem:v40+s15+$0x0], $0xffff  }
0x5b: {  	v20 =	vadd.f32 v20, v29;
	v27 =	vadd.s32 v0, v24;
	v33 =	vld.idx.msk [tilespmem:v28+s3+$0x0], $0xffff;
	v28 =	vadd.f32 v23, v30  }
0x5c: {  	v19 =	vpsel p0, v22, v19;
	v47 =	vmul.f32 v21, v36;
	v23 =	vsel vm0, $0x3F800000, v3;
	v35 =	vld [tilespmem:s24+$0x30]  }
0x5d: {  	v32 =	vadd.f32 v32, v43;
	v21 =	vmul.f32 v16, v51;
	v22 =	vmul.f32 v20, v23;
	v38 =	vld.idx.msk [tilespmem:v38+s15+$0x0], $0xffff  }
0x5e: {  	v19 =	vadd.f32 v19, v26;
	v23 =	vadd.f32 v44, v46;
	v43 =	vld.idx.msk [tilespmem:v50+s15+$0x0], $0xffff  }
0x5f: {  	v30 =	vadd.f32 v28, v21;
	v21 =	vpsel p0, v39, v22;
	v16 =	vmov v37;
	v24 =	vld.idx.msk [tilespmem:v34+s16+$0x0], $0xffff  }
0x60: {  	v26 =	vadd.f32 v19, v31;
	v25 =	vadd.f32 v21, v25;
	v20 =	vmov v40;
	v37 =	vld.idx.msk [tilespmem:v52+s15+$0x0], $0xffff  }
0x61: {  	v22 =	vadd.f32 v41, v33;
	v28 =	vadd.s32 s21, v35;
	v19 =	vadd.s32 v2, v35;
	v21 =	vld.idx.msk [tilespmem:v34+s17+$0x0], $0xffff  }
0x62: {  	v36 =	vmov s22;
	v25 =	vadd.f32 v25, v47;
	v28 =	vadd.s32 v6, v28;
	v29 =	vld.idx.msk [tilespmem:v45+s3+$0x0], $0xffff  }
0x63: {  	vm1 =	vlt.s32 v36, v10;
	vm0 =	vlt.s32 v36, v9;
	v39 =	vadd.f32 v38, v42;
	v31 =	vld [tilespmem:s24+$0xFFFFFFF0]  }
.Ltmp0:
0x64: {  	vm3 =	vlt.s32 v36, v8;
	v40 =	vsel vm1, $0x3F800000, v3;
	v33 =	vadd.f32 v43, v33;
	v34 =	vld [tilespmem:s24+$0x20];
	(pc) =	sbr.rel @p1 .LBB2_2-.Ltmp0, $4  }
0x65: {  	vm2 =	veq.s32 v36, v12;
	v42 =	vadd.f32 v49, v42;
	v39 =	vmul.f32 v39, v40;
	v38 =	vld [tilespmem:s24+$0x10]  }
0x66: {  	vm4 =	veq.s32 v36, v14;
	p0 =	seq.s32 s22, $0x0;
	vm1 =	veq.s32 v36, v13;
	v44 =	vadd.f32 v37, v46;
	v40 =	vld [tilespmem:s24+$0xFFFFFFE0]  }
0x67: {  	v45 =	vsel vm4, $0x3F800000, v3;
	v37 =	vpsel p0, v42, v39;
	v39 =	vsel vm3, $0x3F800000, v3;
	v41 =	vld [tilespmem:s24+$0xFFFFFFD0]  }
0x68: {  	v39 =	vmul.f32 v44, v39;
	v42 =	vld [tilespmem:s24+$0xFFFFFFC0];
	v43 =	vshll.u32 v31, $0x6;
	s24 =	sadd.s32 $0x40, s24;
	v31 =	vmul.f32 v48, v45  }
0x69: {  	v44 =	vadd.s32 s21, v34  }
0x6a: {  	v35 =	vadd.s32 v43, v35;
	v52 =	vsel vm2, $0x3F800000, v3;
	vm8 =	veq.s32 v36, v11  }
0x6b: {  	vm3 =	vlt.s32 v36, v7;
	v47 =	vsel vm1, $0x3F800000, v3;
	v32 =	vadd.f32 v37, v32  }
0x6c: {  	v60 =	vadd.s32 v2, v34;
	v20 =	vadd.f32 v20, v29;
	v24 =	vadd.f32 v24, v29  }
0x6d: {  	v61 =	vsel vm0, $0x3F800000, v3;
	v45 =	vadd.s32 s21, v38;
	v46 =	vadd.s32 v2, v38  }
0x6e: {  	v17 =	vmul.f32 v17, v52;
	v56 =	vsel vm3, $0x3F800000, v3;
	v58 =	vsel vm8, $0x3F800000, v3  }
0x6f: {  	s31 =	sadd.s32 $0x1, s22;
	v35 =	vadd.s32 v1, v35;
	v44 =	vadd.s32 v5, v44;
	v23 =	vpsel p0, v23, v39  }
0x70: {  	v55 =	vld.idx.msk [tilespmem:v19+s16+$0x0], $0xffff;
	v16 =	vmul.f32 v16, v47;
	v37 =	vmov s31;
	v53 =	vadd.s32 v4, v45  }
0x71: {  	v27 =	vld.idx.msk [tilespmem:v27+s3+$0x0], $0xffff;
	v40 =	vshll.u32 v40, $0x6;
	v33 =	vmul.f32 v33, v56;
	v23 =	vadd.f32 v23, v30  }
0x72: {  	v28 =	vld.idx.msk [tilespmem:v28+s3+$0x0], $0xffff;
	v20 =	vmul.f32 v20, v61;
	v21 =	vmul.f32 v21, v58;
	vm9 =	vlt.s32 v37, v10  }
0x73: {  	v62 =	vld.idx.msk [tilespmem:v18+s16+$0x0], $0xffff;
	vm10 =	vlt.s32 v37, v9;
	v41 =	vshll.u32 v41, $0x6;
	v40 =	vadd.s32 v40, v34  }
0x74: {  	v42 =	vshll.u32 v42, $0x6;
	v54 =	vadd.s32 v1, v40;
	v57 =	vadd.s32 v41, v38;
	v47 =	vld.idx.msk [tilespmem:v60+s16+$0x0], $0xffff  }
0x75: {  	vm11 =	vlt.s32 v37, v8;
	v15 =	vadd.s32 v42, v15;
	v38 =	vadd.s32 v1, v57;
	v59 =	vld.idx.msk [tilespmem:v46+s16+$0x0], $0xffff  }
0x76: {  	vm12 =	veq.s32 v37, v12;
	v22 =	vpsel p0, v22, v33;
	v15 =	vadd.s32 v1, v15;
	v33 =	vld.idx.msk [tilespmem:v35+s15+$0x0], $0xffff  }
0x77: {  	vm13 =	veq.s32 v37, v13;
	vm4 =	veq.s32 v37, v14;
	vm14 =	vlt.s32 v37, v7;
	v44 =	vld.idx.msk [tilespmem:v44+s3+$0x0], $0xffff  }
0x78: {  	vm15 =	veq.s32 v37, v11;
	v17 =	vadd.f32 v32, v17;
	v50 =	vsel vm11, $0x3F800000, v3;
	v43 =	vld.idx.msk [tilespmem:v53+s3+$0x0], $0xffff  }
0x79: {  	v51 =	vsel vm4, $0x3F800000, v3;
	v52 =	vsel vm12, $0x3F800000, v3;
	v7 =	vsel vm14, $0x3F800000, v3;
	v41 =	vld.idx.msk [tilespmem:v54+s15+$0x0], $0xffff  }
0x7a: {  	v16 =	vadd.f32 v23, v16;
	v20 =	vpsel p0, v24, v20;
	v22 =	vadd.f32 v22, v26;
	v35 =	vld.idx.msk [tilespmem:v38+s15+$0x0], $0xffff  }
0x7b: {  	v58 =	vsel vm13, $0x3F800000, v3;
	v20 =	vadd.f32 v20, v25;
	v39 =	vadd.f32 v55, v28;
	v15 =	vld.idx.msk [tilespmem:v15+s15+$0x0], $0xffff  }
0x7c: {  	v56 =	vld.idx.msk [tilespmem:v19+s17+$0x0], $0xffff;
	v42 =	vsel vm9, $0x3F800000, v3;
	v8 =	vadd.f32 v62, v27;
	v45 =	vadd.f32 v33, v28  }
0x7d: {  	v57 =	vsel vm15, $0x3F800000, v3;
	v22 =	vadd.f32 v22, v31;
	v20 =	vadd.f32 v20, v21;
	v53 =	vld.idx.msk [tilespmem:v60+s17+$0x0], $0xffff  }
0x7e: {  	v12 =	vadd.f32 v47, v44;
	v7 =	vmul.f32 v45, v7;
	v55 =	vadd.f32 v41, v44  }
0x7f: {  	p6 =	seq.s32 s31, $0x0;
	v49 =	vld.idx.msk [tilespmem:v46+s17+$0x0], $0xffff;
	v63 =	vadd.f32 v59, v43;
	v59 =	vsel vm10, $0x3F800000, v3;
	v48 =	vadd.f32 v35, v43  }
0x80: {  	v38 =	vld.idx.msk [tilespmem:v18+s17+$0x0], $0xffff;
	v7 =	vpsel p6, v39, v7;
	v40 =	vadd.f32 v15, v27;
	v11 =	vmul.f32 v55, v59  }
0x81: {  	v62 =	vmul.f32 v56, v51;
	v7 =	vadd.f32 v7, v22;
	v13 =	vmul.f32 v48, v50  }
0x82: {  	v61 =	vmul.f32 v53, v57;
	v9 =	vmul.f32 v40, v42;
	v11 =	vpsel p6, v12, v11  }
0x83: {  	v7 =	vadd.f32 v7, v62;
	v13 =	vpsel p6, v63, v13;
	v11 =	vadd.f32 v11, v20  }
0x84: {  	v8 =	vpsel p6, v8, v9;
	v60 =	vadd.f32 v13, v16;
	v9 =	vmul.f32 v49, v58  }
0x85: {  	v54 =	vmul.f32 v38, v52;
	v8 =	vadd.f32 v8, v17;
	v63 =	vadd.f32 v11, v61  }
0x86: {  	[tilespmem:$0x14730] =	vst v7;
	v9 =	vadd.f32 v60, v9  }
0x87: {  	s20 =	sadd.s32 $0x1, s20;
	v8 =	vadd.f32 v8, v54;
	[tilespmem:$0x14720] =	vst v63  }
0x88: {  	p0 =	sne.s32 s20, s11;
	[tilespmem:$0x14710] =	vst v9  }
.Ltmp1:
0x89: {  	[tilespmem:$0x14700] =	vst v8;
	(pc) =	sbr.rel @p0 .LBB2_1-.Ltmp1, $4  }
0x8a: {  	[hbm4b:s10+s3] =	stream.linear.scatter [tilespmem:s19], [sflag:$0x1], $0x80, $0x38;
	[tilespmem:$0x14780] =	vst v63  }
0x8b: {  	_ =	swait.ge [sflag:s13], $0x80  }
0x8c: {  	[sflag:s13] =	ssyncset.done $0x0  }
0x8d: {  	[sflag:s13] =	ssyncadd.s32 $0xFFFFFF80  }
0x8e: {  	_ =	sfence.sel $0x180000  }
0x8f: {  	[bflag:$0x0] =	sbarrier.arrive $0xFFFF  }
0x90: {  	p0 =	sne.s32 s0, $0x0;
	_ =	strace $0x90000047  }
0x91: {  	s0 =	sadd.s32 @!p0 $0x100000, s1;
	[bflag:$0x2] =	sbarrier.arrive $0xFFFF  }
0x92: {  	[sflag:s0] =	ssyncadd.tile.s32 @!p0 $0x1;
	_ =	shalt  }
.Lfunc_end2:
_tile_overlayer_lowered:
.L_overlay_start_2:
0x93: {  	(tag) =	ssettag $0x2  }
0x94: {  	s0 =	rddreg [dreg:$0x0];
	s2 =	stileid.u32  }
0x95: {  	s1 =	rddreg [dreg:$0x1];
	p0 =	sne.s32 s2, $0x0  }
0x96: {  	s3 =	rddreg [dreg:$0x2];
	[bflag:$0x3] =	sbarrier.arrive $0xFFFF;
	s2 =	simm.s32 @!p0 $0x1C01  }
0x97: {  	[timem:s3], [sflag:s2] =	dma.local @!p0 [hbm:s0], s1  }
0x98: {  	s0 =	simm.s32 @!p0 $0x1  }
0x99: {  	_ =	swait.ge @!p0 [sflag:s0], s1  }
0x9a: {  	s1 =	ssub.s32 @!p0 $0x0, s1;
	[sflag:s0] =	ssyncset.done @!p0 $0x0  }
0x9b: {  	[sflag:s0] =	ssyncadd.s32 @!p0 s1  }
0x9c: {  	[bflag:$0x3] =	sbarrier.arrive $0xFFFF  }
0x9d: {  	_ =	shalt  }

</sc_bundles>
